<compile_context>
chip_gen: v7x
topology: tpu7x:2x2x1
jax: 0.10.2.dev20260603
libtpu: 0.0.44.dev20260713+nightly
codegen_flags: <defaults>
</compile_context>

<pallas_src>
import jax
import jax.numpy as jnp
from jax import lax
from jax.experimental import pallas as pl
from jax.experimental.pallas import tpu as pltpu
from jax.experimental.pallas import tpu_sc as plsc

N = 10000
D_IN = 256
D_HID = 128
E = 160000

NC = 2
NS = 16
NW = NC * NS
CHUNK = 128
NPAD = 10240
RPT = NPAD // NS
DEAD = 10100
NSLOT = 2
NCH = 40
E_PAD = NW * NCH * CHUNK
BLK = 1024


def _sc_mesh():
    return plsc.VectorSubcoreMesh(
        core_axis_name="c", subcore_axis_name="s",
        num_cores=NC, num_subcores=NS)


_SC_PARAMS = pltpu.CompilerParams(needs_layout_passes=False)


def _zero_1d(ref, n):
    z16 = jnp.zeros((16,), jnp.float32)

    def body(i, carry):
        ref[pl.ds(i * 16, 16)] = z16
        return carry
    lax.fori_loop(0, n // 16, body, 0)


def _reduce_tiles(stage_s, sum_v, tmp_v, out_hbm, c, s):
    pltpu.sync_copy(stage_s.at[:, pl.ds(s * RPT, RPT)], tmp_v)

    def ibody(i, carry):
        sl = pl.ds(i * 16, 16)
        acc = tmp_v[0, sl]
        for j in range(1, NS):
            acc = acc + tmp_v[j, sl]
        sum_v[sl] = acc
        return carry
    lax.fori_loop(0, RPT // 16, ibody, 0)
    pltpu.sync_copy(sum_v, out_hbm.at[c, pl.ds(s * RPT, RPT)])


def _deg_body(didx_hbm, znpad_hbm, out_hbm, didx_v, acc_v, tmp_v, sum_v,
              stage_s, sem1, sem2):
    c = lax.axis_index("c")
    s = lax.axis_index("s")
    wid = c * NS + s
    cp1 = pltpu.async_copy(didx_hbm.at[wid], didx_v, sem1)
    cp2 = pltpu.async_copy(znpad_hbm, acc_v, sem2)
    cp1.wait()
    cp2.wait()
    ones16 = jnp.full((16,), 1.0, jnp.float32)

    def body(j, carry):
        for k in range(CHUNK // 16):
            idx = didx_v[j, pl.ds(k * 16, 16)]
            plsc.addupdate_scatter(acc_v, [idx], ones16)
        return carry
    lax.fori_loop(0, NCH, body, 0)
    pltpu.sync_copy(acc_v, stage_s.at[s])
    plsc.subcore_barrier()
    _reduce_tiles(stage_s, sum_v, tmp_v, out_hbm, c, s)


def _sc_degree(didx, znpad):
    return pl.kernel(
        _deg_body,
        out_type=jax.ShapeDtypeStruct((NC, NPAD), jnp.float32),
        mesh=_sc_mesh(),
        compiler_params=_SC_PARAMS,
        scratch_types=[
            pltpu.VMEM((NCH, CHUNK), jnp.int32),
            pltpu.VMEM((NPAD,), jnp.float32),
            pltpu.VMEM((NS, RPT), jnp.float32),
            pltpu.VMEM((RPT,), jnp.float32),
            pltpu.VMEM_SHARED((NS, NPAD), jnp.float32),
            pltpu.SemaphoreType.DMA,
            pltpu.SemaphoreType.DMA,
        ],
    )(didx, znpad)


def _spmm_body(y_hbm, sidx_hbm, didx_hbm, zrows_hbm, out_hbm,
               sidx_v, didx_v, rows, gsems, ssems):
    c = lax.axis_index("c")
    s = lax.axis_index("s")
    wid = c * NS + s
    acc_s = rows[NSLOT]
    rows = rows[:NSLOT]
    pltpu.sync_copy(zrows_hbm, rows[0])
    for k in range(RPT // CHUNK):
        pltpu.sync_copy(rows[0], acc_s.at[pl.ds(s * RPT + k * CHUNK, CHUNK)])
    pltpu.sync_copy(sidx_hbm.at[wid], sidx_v)
    pltpu.sync_copy(didx_hbm.at[wid], didx_v)
    plsc.subcore_barrier()

    def gst(b, j):
        pltpu.async_copy(y_hbm.at[sidx_v.at[j]], rows[b], gsems[b])

    def gwait(b, j):
        pltpu.make_async_copy(y_hbm.at[sidx_v.at[j]], rows[b], gsems[b]).wait()

    def sst(b, j):
        pltpu.async_copy(rows[b], acc_s.at[didx_v.at[j]], ssems[b], add=True)

    def swait(b, j):
        pltpu.make_async_copy(rows[b], acc_s.at[didx_v.at[j]], ssems[b]).wait()

    ngrp = NCH // NSLOT
    gst(0, 0)
    for b in range(NSLOT):
        b1 = (b + 1) % NSLOT
        gwait(b, b)
        sst(b, b)
        if b < NSLOT - 1:
            gst(b1, b + 1)
        else:
            swait(0, 0)
            gst(0, NSLOT)

    def body(g, carry):
        for b in range(NSLOT):
            j = NSLOT * g + b
            b1 = (b + 1) % NSLOT
            gwait(b, j)
            sst(b, j)
            swait(b1, j + 1 - NSLOT)
            gst(b1, j + 1)
        return carry
    lax.fori_loop(1, ngrp - 1, body, 0)
    for b in range(NSLOT):
        j = NCH - NSLOT + b
        b1 = (b + 1) % NSLOT
        gwait(b, j)
        sst(b, j)
        if b < NSLOT - 1:
            swait(b1, j + 1 - NSLOT)
            gst(b1, j + 1)
        else:
            swait(0, NCH - NSLOT)
    for b in range(1, NSLOT):
        swait(b, NCH - NSLOT + b)
    plsc.subcore_barrier()
    for k in range(RPT // CHUNK):
        off = s * RPT + k * CHUNK
        pltpu.async_copy(acc_s.at[pl.ds(off, CHUNK)],
                         out_hbm.at[c, pl.ds(off, CHUNK)], gsems[k % NSLOT])
    for k in range(RPT // CHUNK):
        off = s * RPT + k * CHUNK
        pltpu.make_async_copy(acc_s.at[pl.ds(off, CHUNK)],
                              out_hbm.at[c, pl.ds(off, CHUNK)],
                              gsems[k % NSLOT]).wait()


def _sc_spmm(y, sidx, didx, zrows):
    return pl.kernel(
        _spmm_body,
        out_type=jax.ShapeDtypeStruct((NC, NPAD, D_HID), jnp.float32),
        mesh=_sc_mesh(),
        compiler_params=_SC_PARAMS,
        scratch_types=[
            pltpu.VMEM((NCH, CHUNK), jnp.int32),
            pltpu.VMEM((NCH, CHUNK), jnp.int32),
            [pltpu.VMEM((CHUNK, D_HID), jnp.float32)] * NSLOT
            + [pltpu.VMEM_SHARED((NPAD, D_HID), jnp.float32)],
            [pltpu.SemaphoreType.DMA] * NSLOT,
            [pltpu.SemaphoreType.DMA] * NSLOT,
        ],
    )(y, sidx, didx, zrows)


def _seg_body(z_hbm, sidx_hbm, didx_hbm, znpad_hbm, out_hbm,
              sidx_v, didx_v, z_v, acc_v, tmp_v, sum_v, stage_s,
              sem1, sem2, sem3, sem4):
    c = lax.axis_index("c")
    s = lax.axis_index("s")
    wid = c * NS + s
    cp1 = pltpu.async_copy(z_hbm, z_v, sem1)
    cp2 = pltpu.async_copy(sidx_hbm.at[wid], sidx_v, sem2)
    cp3 = pltpu.async_copy(didx_hbm.at[wid], didx_v, sem3)
    cp4 = pltpu.async_copy(znpad_hbm, acc_v, sem4)
    cp1.wait()
    cp2.wait()
    cp3.wait()
    cp4.wait()

    def body(j, carry):
        for k in range(CHUNK // 16):
            sl = pl.ds(k * 16, 16)
            svals = plsc.load_gather(z_v, [sidx_v[j, sl]])
            plsc.addupdate_scatter(acc_v, [didx_v[j, sl]], svals)
        return carry
    lax.fori_loop(0, NCH, body, 0)
    pltpu.sync_copy(acc_v, stage_s.at[s])
    plsc.subcore_barrier()
    _reduce_tiles(stage_s, sum_v, tmp_v, out_hbm, c, s)


def _sc_seg(z, sidx, didx, znpad):
    return pl.kernel(
        _seg_body,
        out_type=jax.ShapeDtypeStruct((NC, NPAD), jnp.float32),
        mesh=_sc_mesh(),
        compiler_params=_SC_PARAMS,
        scratch_types=[
            pltpu.VMEM((NCH, CHUNK), jnp.int32),
            pltpu.VMEM((NCH, CHUNK), jnp.int32),
            pltpu.VMEM((NPAD,), jnp.float32),
            pltpu.VMEM((NPAD,), jnp.float32),
            pltpu.VMEM((NS, RPT), jnp.float32),
            pltpu.VMEM((RPT,), jnp.float32),
            pltpu.VMEM_SHARED((NS, NPAD), jnp.float32),
            pltpu.SemaphoreType.DMA,
            pltpu.SemaphoreType.DMA,
            pltpu.SemaphoreType.DMA,
            pltpu.SemaphoreType.DMA,
        ],
    )(z, sidx, didx, znpad)


def _front_body(x_ref, w1_ref, degp_ref, y_ref, dinv_ref):
    b = pl.program_id(0)
    deg = degp_ref[0] + degp_ref[1] + 1.0
    rows = b * BLK + lax.broadcasted_iota(jnp.int32, (BLK, 1), 0)
    dinv = jnp.where(rows < N, lax.rsqrt(deg), 0.0)
    xw = jnp.dot(x_ref[...], w1_ref[...], preferred_element_type=jnp.float32)
    y_ref[...] = xw * dinv
    dinv_ref[...] = dinv


def _tc_front(x, w1, deg_parts):
    return pl.pallas_call(
        _front_body,
        grid=(NPAD // BLK,),
        in_specs=[
            pl.BlockSpec((BLK, D_IN), lambda b: (b, 0)),
            pl.BlockSpec((D_IN, D_HID), lambda b: (0, 0)),
            pl.BlockSpec((NC, BLK, 1), lambda b: (0, b, 0)),
        ],
        out_specs=[
            pl.BlockSpec((BLK, D_HID), lambda b: (b, 0)),
            pl.BlockSpec((BLK, 1), lambda b: (b, 0)),
        ],
        out_shape=[
            jax.ShapeDtypeStruct((NPAD, D_HID), jnp.float32),
            jax.ShapeDtypeStruct((NPAD, 1), jnp.float32),
        ],
    )(x, w1, deg_parts)


def _mid_body(s1p_ref, y_ref, dinv_ref, b1_ref, w2_ref, z_ref):
    h = (s1p_ref[0] + s1p_ref[1] + y_ref[...]) * dinv_ref[...] + b1_ref[...]
    t = jnp.tanh(h)
    hw = jnp.dot(t, w2_ref[...], preferred_element_type=jnp.float32)
    z_ref[...] = hw * dinv_ref[...]


def _tc_mid(s1_parts, y, dinv, b1_row, w2):
    return pl.pallas_call(
        _mid_body,
        grid=(NPAD // BLK,),
        in_specs=[
            pl.BlockSpec((NC, BLK, D_HID), lambda b: (0, b, 0)),
            pl.BlockSpec((BLK, D_HID), lambda b: (b, 0)),
            pl.BlockSpec((BLK, 1), lambda b: (b, 0)),
            pl.BlockSpec((1, D_HID), lambda b: (0, 0)),
            pl.BlockSpec((D_HID, 1), lambda b: (0, 0)),
        ],
        out_specs=pl.BlockSpec((BLK, 1), lambda b: (b, 0)),
        out_shape=jax.ShapeDtypeStruct((NPAD, 1), jnp.float32),
    )(s1_parts, y, dinv, b1_row, w2)


def _tail_body(s2p_ref, z_ref, dinv_ref, b2_ref, out_ref):
    h2 = (s2p_ref[0] + s2p_ref[1] + z_ref[...]) * dinv_ref[...] + b2_ref[...]
    flat = (lax.broadcasted_iota(jnp.int32, (NPAD // 128, 128), 0) * 128
            + lax.broadcasted_iota(jnp.int32, (NPAD // 128, 128), 1))
    sq = jnp.where(flat < N, h2 * h2, 0.0)
    out_ref[...] = jnp.sqrt(jnp.sum(sq, axis=(0, 1), keepdims=True))


def _tc_tail(s2_parts, z, dinv, b2_2d):
    return pl.pallas_call(
        _tail_body,
        out_shape=jax.ShapeDtypeStruct((1, 1), jnp.float32),
    )(s2_parts.reshape(NC, NPAD // 128, 128), z.reshape(NPAD // 128, 128),
      dinv.reshape(NPAD // 128, 128), b2_2d)


def kernel(x, edge_index, W1, b1, W2, b2):
    src = edge_index[0].astype(jnp.int32)
    dst = edge_index[1].astype(jnp.int32)
    pad = N + jnp.arange(E_PAD - E, dtype=jnp.int32) % (NPAD - N)
    sidx = jnp.concatenate([src, pad]).reshape(NW, NCH, CHUNK)
    didx = jnp.concatenate([dst, pad]).reshape(NW, NCH, CHUNK)

    zrows = jnp.zeros((CHUNK, D_HID), jnp.float32)
    znpad = jnp.zeros((NPAD,), jnp.float32)
    b1_row = b1.reshape(1, D_HID)
    b2_2d = b2.reshape(1, 1)

    deg_parts = _sc_degree(didx, znpad).reshape(NC, NPAD, 1)
    y, dinv = _tc_front(x, W1, deg_parts)
    s1_parts = _sc_spmm(y, sidx, didx, zrows)
    z = _tc_mid(s1_parts, y, dinv, b1_row, W2)
    s2_parts = _sc_seg(z.reshape(NPAD), sidx, didx, znpad).reshape(NC, NPAD, 1)
    out = _tc_tail(s2_parts, z, dinv, b2_2d)
    return out.reshape(1)

# --- scband reference (transcript-rebuilt; emitter-appended) ---
"""Pipeline reference for scband-attention-h-48069273977161 (READ-ONLY COPY).

The authoritative reference and input builder live on the scoring server;
editing this copy changes nothing except your own understanding.
"""

import jax, jax.numpy as jnp
import numpy as np

N = 10000
D_IN = 256
D_HID = 128
E = 160000

def gcn_conv(x, src, dst, W, b, num_nodes):
    # GCNConv with normalize=True, add_self_loops already applied to src/dst
    xw = x @ W
    deg = jnp.zeros((num_nodes,), dtype=x.dtype).at[dst].add(1.0)
    dinv = jnp.where(deg > 0, deg ** -0.5, 0.0)
    norm = dinv[src] * dinv[dst]
    msg = jnp.take(xw, src, axis=0) * norm[:, None]
    out = jnp.zeros((num_nodes, xw.shape[1]), dtype=x.dtype).at[dst].add(msg)
    return out + b

def setup_inputs(seed: int = 0):
    key = jax.random.key(seed)
    k1, k2, k3, k4 = jax.random.split(key, 4)
    x = jax.random.normal(k1, (N, D_IN), dtype=jnp.float32)
    edge_index = jax.random.randint(k2, (2, E), 0, N, dtype=jnp.int32)
    W1 = jax.random.normal(k3, (D_IN, D_HID), dtype=jnp.float32) / np.sqrt(D_IN)
    b1 = jnp.zeros((D_HID,), dtype=jnp.float32)
    W2 = jax.random.normal(k4, (D_HID, 1), dtype=jnp.float32) / np.sqrt(D_HID)
    b2 = jnp.zeros((1,), dtype=jnp.float32)
    return {"x": x, "edge_index": edge_index, "W1": W1, "b1": b1, "W2": W2, "b2": b2}

def reference(x, edge_index, W1, b1, W2, b2):
    src = edge_index[0]
    dst = edge_index[1]
    loop = jnp.arange(N, dtype=src.dtype)
    src = jnp.concatenate([src, loop])
    dst = jnp.concatenate([dst, loop])
    h = gcn_conv(x, src, dst, W1, b1, N)
    h = jnp.tanh(h)
    h = gcn_conv(h, src, dst, W2, b2, N)
    # torch.norm(out, dim=0) -> L2 norm over node dimension, result shape [1]
    return jnp.linalg.norm(h, axis=0)

if __name__ == "__main__":
    import jax
    _d = setup_inputs()
    print(jax.jit(kernel)(*tuple(_d.values())))

</pallas_src>

<mosaic_0001>
#map = affine_map<(d0, d1) -> (0)>
#map1 = affine_map<(d0, d1) -> (0, 0, 0)>
#map2 = affine_map<(d0, d1) -> (0, 0)>
module attributes {stable_mosaic.version = 14 : i64} {
  func.func @_seg_body(%arg0: i32, %arg1: i32, %arg2: memref<10240xf32, #tpu.memory_space<hbm>>, %arg3: memref<32x40x128xi32, #tpu.memory_space<hbm>>, %arg4: memref<32x40x128xi32, #tpu.memory_space<hbm>>, %arg5: memref<10240xf32, #tpu.memory_space<hbm>>, %arg6: memref<2x10240xf32, #tpu.memory_space<hbm>>, %arg7: memref<40x128xi32, #tpu.memory_space<vmem>>, %arg8: memref<40x128xi32, #tpu.memory_space<vmem>>, %arg9: memref<10240xf32, #tpu.memory_space<vmem>>, %arg10: memref<10240xf32, #tpu.memory_space<vmem>>, %arg11: memref<16x640xf32, #tpu.memory_space<vmem>>, %arg12: memref<640xf32, #tpu.memory_space<vmem>>, %arg13: memref<16x10240xf32, #tpu.memory_space<vmem_shared>>, %arg14: memref<!tpu.dma_semaphore, #tpu.memory_space<semaphore_mem>>, %arg15: memref<!tpu.dma_semaphore, #tpu.memory_space<semaphore_mem>>, %arg16: memref<!tpu.dma_semaphore, #tpu.memory_space<semaphore_mem>>, %arg17: memref<!tpu.dma_semaphore, #tpu.memory_space<semaphore_mem>>) attributes {dimension_semantics = [#tpu.dimension_semantics<core_parallel>, #tpu.dimension_semantics<subcore_parallel>], iteration_bounds = array<i64: 2, 16>, scalar_prefetch = 0 : i64, scratch_operands = 11 : i64, tpu.core_type = #tpu.core_type<sc_vector_subcore>, window_params = [{transform_indices = #map}, {transform_indices = #map1}, {transform_indices = #map1}, {transform_indices = #map}, {transform_indices = #map2}]} {
    %mul3A = arith.constant 16 : i32
    %mul3A_0 = arith.muli %arg0, %mul3A : i32
    %add3A = arith.addi %mul3A_0, %arg1 : i32
    tpu.enqueue_dma source(%arg2 : memref<10240xf32, #tpu.memory_space<hbm>>) target(%arg9 : memref<10240xf32, #tpu.memory_space<vmem>>) target_semaphore(%arg14 : memref<!tpu.dma_semaphore, #tpu.memory_space<semaphore_mem>>)
    %dma_start3A = arith.constant 0 : i32
    %dma_start3A_1 = arith.constant 0 : i32
    %dma_start3A_2 = tpu.memref_slice %arg3[%add3A, %dma_start3A, %dma_start3A_1] : memref<32x40x128xi32, #tpu.memory_space<hbm>> -> memref<1x40x128xi32, #tpu.memory_space<hbm>>
    %dma_start3A_3 = tpu.memref_squeeze %dma_start3A_2 : memref<1x40x128xi32, #tpu.memory_space<hbm>> -> memref<40x128xi32, #tpu.memory_space<hbm>>
    %dma_start3A_4 = arith.constant 0 : i32
    %dma_start3A_5 = arith.constant 0 : i32
    %dma_start3A_6 = tpu.memref_slice %arg3[%add3A, %dma_start3A_4, %dma_start3A_5] : memref<32x40x128xi32, #tpu.memory_space<hbm>> -> memref<1x40x128xi32, #tpu.memory_space<hbm>>
    %dma_start3A_7 = tpu.memref_squeeze %dma_start3A_6 : memref<1x40x128xi32, #tpu.memory_space<hbm>> -> memref<40x128xi32, #tpu.memory_space<hbm>>
    tpu.enqueue_dma source(%dma_start3A_7 : memref<40x128xi32, #tpu.memory_space<hbm>>) target(%arg7 : memref<40x128xi32, #tpu.memory_space<vmem>>) target_semaphore(%arg15 : memref<!tpu.dma_semaphore, #tpu.memory_space<semaphore_mem>>)
    %dma_start3A_8 = arith.constant 0 : i32
    %dma_start3A_9 = arith.constant 0 : i32
    %dma_start3A_10 = tpu.memref_slice %arg4[%add3A, %dma_start3A_8, %dma_start3A_9] : memref<32x40x128xi32, #tpu.memory_space<hbm>> -> memref<1x40x128xi32, #tpu.memory_space<hbm>>
    %dma_start3A_11 = tpu.memref_squeeze %dma_start3A_10 : memref<1x40x128xi32, #tpu.memory_space<hbm>> -> memref<40x128xi32, #tpu.memory_space<hbm>>
    %dma_start3A_12 = arith.constant 0 : i32
    %dma_start3A_13 = arith.constant 0 : i32
    %dma_start3A_14 = tpu.memref_slice %arg4[%add3A, %dma_start3A_12, %dma_start3A_13] : memref<32x40x128xi32, #tpu.memory_space<hbm>> -> memref<1x40x128xi32, #tpu.memory_space<hbm>>
    %dma_start3A_15 = tpu.memref_squeeze %dma_start3A_14 : memref<1x40x128xi32, #tpu.memory_space<hbm>> -> memref<40x128xi32, #tpu.memory_space<hbm>>
    tpu.enqueue_dma source(%dma_start3A_15 : memref<40x128xi32, #tpu.memory_space<hbm>>) target(%arg8 : memref<40x128xi32, #tpu.memory_space<vmem>>) target_semaphore(%arg16 : memref<!tpu.dma_semaphore, #tpu.memory_space<semaphore_mem>>)
    tpu.enqueue_dma source(%arg5 : memref<10240xf32, #tpu.memory_space<hbm>>) target(%arg10 : memref<10240xf32, #tpu.memory_space<vmem>>) target_semaphore(%arg17 : memref<!tpu.dma_semaphore, #tpu.memory_space<semaphore_mem>>)
    tpu.wait_dma2 semaphore(%arg14 : memref<!tpu.dma_semaphore, #tpu.memory_space<semaphore_mem>>) src(%arg2 : memref<10240xf32, #tpu.memory_space<hbm>>) dst(%arg9 : memref<10240xf32, #tpu.memory_space<vmem>>)
    %dma_wait3A = arith.constant 0 : i32
    %dma_wait3A_16 = arith.constant 0 : i32
    %dma_wait3A_17 = tpu.memref_slice %arg3[%add3A, %dma_wait3A, %dma_wait3A_16] : memref<32x40x128xi32, #tpu.memory_space<hbm>> -> memref<1x40x128xi32, #tpu.memory_space<hbm>>
    %dma_wait3A_18 = tpu.memref_squeeze %dma_wait3A_17 : memref<1x40x128xi32, #tpu.memory_space<hbm>> -> memref<40x128xi32, #tpu.memory_space<hbm>>
    %dma_wait3A_19 = arith.constant 0 : i32
    %dma_wait3A_20 = arith.constant 0 : i32
    %dma_wait3A_21 = tpu.memref_slice %arg3[%add3A, %dma_wait3A_19, %dma_wait3A_20] : memref<32x40x128xi32, #tpu.memory_space<hbm>> -> memref<1x40x128xi32, #tpu.memory_space<hbm>>
    %dma_wait3A_22 = tpu.memref_squeeze %dma_wait3A_21 : memref<1x40x128xi32, #tpu.memory_space<hbm>> -> memref<40x128xi32, #tpu.memory_space<hbm>>
    tpu.wait_dma2 semaphore(%arg15 : memref<!tpu.dma_semaphore, #tpu.memory_space<semaphore_mem>>) src(%dma_wait3A_22 : memref<40x128xi32, #tpu.memory_space<hbm>>) dst(%arg7 : memref<40x128xi32, #tpu.memory_space<vmem>>)
    %dma_wait3A_23 = arith.constant 0 : i32
    %dma_wait3A_24 = arith.constant 0 : i32
    %dma_wait3A_25 = tpu.memref_slice %arg4[%add3A, %dma_wait3A_23, %dma_wait3A_24] : memref<32x40x128xi32, #tpu.memory_space<hbm>> -> memref<1x40x128xi32, #tpu.memory_space<hbm>>
    %dma_wait3A_26 = tpu.memref_squeeze %dma_wait3A_25 : memref<1x40x128xi32, #tpu.memory_space<hbm>> -> memref<40x128xi32, #tpu.memory_space<hbm>>
    %dma_wait3A_27 = arith.constant 0 : i32
    %dma_wait3A_28 = arith.constant 0 : i32
    %dma_wait3A_29 = tpu.memref_slice %arg4[%add3A, %dma_wait3A_27, %dma_wait3A_28] : memref<32x40x128xi32, #tpu.memory_space<hbm>> -> memref<1x40x128xi32, #tpu.memory_space<hbm>>
    %dma_wait3A_30 = tpu.memref_squeeze %dma_wait3A_29 : memref<1x40x128xi32, #tpu.memory_space<hbm>> -> memref<40x128xi32, #tpu.memory_space<hbm>>
    tpu.wait_dma2 semaphore(%arg16 : memref<!tpu.dma_semaphore, #tpu.memory_space<semaphore_mem>>) src(%dma_wait3A_30 : memref<40x128xi32, #tpu.memory_space<hbm>>) dst(%arg8 : memref<40x128xi32, #tpu.memory_space<vmem>>)
    tpu.wait_dma2 semaphore(%arg17 : memref<!tpu.dma_semaphore, #tpu.memory_space<semaphore_mem>>) src(%arg5 : memref<10240xf32, #tpu.memory_space<hbm>>) dst(%arg10 : memref<10240xf32, #tpu.memory_space<vmem>>)
    %scan3A = arith.constant 0 : i32
    %scan3A_31 = arith.constant 0 : i32
    %scan3A_32 = arith.constant 40 : i32
    %scan3A_33 = arith.addi %scan3A_31, %scan3A_32 : i32
    %scan3A_34 = arith.constant 1 : i32
    scf.for %scan3A_46 = %scan3A_31 to %scan3A_33 step %scan3A_34  : i32 {
      %get3A = arith.index_cast %scan3A_46 : i32 to index
      %get3A_47 = arith.constant 0 : index
      %get3A_48 = tpu.vector_load %arg7[%get3A, %get3A_47] {strides = array<i32>} : memref<40x128xi32, #tpu.memory_space<vmem>>, vector<16xi32>,
      %gather3A = tpu.vector_load_idx %arg9[%get3A_48] : memref<10240xf32, #tpu.memory_space<vmem>>[vector<16xi32>], vector<16xf32>,
      %get3A_49 = arith.index_cast %scan3A_46 : i32 to index
      %get3A_50 = arith.constant 0 : index
      %get3A_51 = tpu.vector_load %arg8[%get3A_49, %get3A_50] {strides = array<i32>} : memref<40x128xi32, #tpu.memory_space<vmem>>, vector<16xi32>,
      tpu.vector_store_idx %arg10[%get3A_51], %gather3A {add = true} : memref<10240xf32, #tpu.memory_space<vmem>>[vector<16xi32>], vector<16xf32>,
      %get3A_52 = arith.index_cast %scan3A_46 : i32 to index
      %get3A_53 = arith.constant 16 : index
      %get3A_54 = tpu.vector_load %arg7[%get3A_52, %get3A_53] {strides = array<i32>} : memref<40x128xi32, #tpu.memory_space<vmem>>, vector<16xi32>,
      %gather3A_55 = tpu.vector_load_idx %arg9[%get3A_54] : memref<10240xf32, #tpu.memory_space<vmem>>[vector<16xi32>], vector<16xf32>,
      %get3A_56 = arith.index_cast %scan3A_46 : i32 to index
      %get3A_57 = arith.constant 16 : index
      %get3A_58 = tpu.vector_load %arg8[%get3A_56, %get3A_57] {strides = array<i32>} : memref<40x128xi32, #tpu.memory_space<vmem>>, vector<16xi32>,
      tpu.vector_store_idx %arg10[%get3A_58], %gather3A_55 {add = true} : memref<10240xf32, #tpu.memory_space<vmem>>[vector<16xi32>], vector<16xf32>,
      %get3A_59 = arith.index_cast %scan3A_46 : i32 to index
      %get3A_60 = arith.constant 32 : index
      %get3A_61 = tpu.vector_load %arg7[%get3A_59, %get3A_60] {strides = array<i32>} : memref<40x128xi32, #tpu.memory_space<vmem>>, vector<16xi32>,
      %gather3A_62 = tpu.vector_load_idx %arg9[%get3A_61] : memref<10240xf32, #tpu.memory_space<vmem>>[vector<16xi32>], vector<16xf32>,
      %get3A_63 = arith.index_cast %scan3A_46 : i32 to index
      %get3A_64 = arith.constant 32 : index
      %get3A_65 = tpu.vector_load %arg8[%get3A_63, %get3A_64] {strides = array<i32>} : memref<40x128xi32, #tpu.memory_space<vmem>>, vector<16xi32>,
      tpu.vector_store_idx %arg10[%get3A_65], %gather3A_62 {add = true} : memref<10240xf32, #tpu.memory_space<vmem>>[vector<16xi32>], vector<16xf32>,
      %get3A_66 = arith.index_cast %scan3A_46 : i32 to index
      %get3A_67 = arith.constant 48 : index
      %get3A_68 = tpu.vector_load %arg7[%get3A_66, %get3A_67] {strides = array<i32>} : memref<40x128xi32, #tpu.memory_space<vmem>>, vector<16xi32>,
      %gather3A_69 = tpu.vector_load_idx %arg9[%get3A_68] : memref<10240xf32, #tpu.memory_space<vmem>>[vector<16xi32>], vector<16xf32>,
      %get3A_70 = arith.index_cast %scan3A_46 : i32 to index
      %get3A_71 = arith.constant 48 : index
      %get3A_72 = tpu.vector_load %arg8[%get3A_70, %get3A_71] {strides = array<i32>} : memref<40x128xi32, #tpu.memory_space<vmem>>, vector<16xi32>,
      tpu.vector_store_idx %arg10[%get3A_72], %gather3A_69 {add = true} : memref<10240xf32, #tpu.memory_space<vmem>>[vector<16xi32>], vector<16xf32>,
      %get3A_73 = arith.index_cast %scan3A_46 : i32 to index
      %get3A_74 = arith.constant 64 : index
      %get3A_75 = tpu.vector_load %arg7[%get3A_73, %get3A_74] {strides = array<i32>} : memref<40x128xi32, #tpu.memory_space<vmem>>, vector<16xi32>,
      %gather3A_76 = tpu.vector_load_idx %arg9[%get3A_75] : memref<10240xf32, #tpu.memory_space<vmem>>[vector<16xi32>], vector<16xf32>,
      %get3A_77 = arith.index_cast %scan3A_46 : i32 to index
      %get3A_78 = arith.constant 64 : index
      %get3A_79 = tpu.vector_load %arg8[%get3A_77, %get3A_78] {strides = array<i32>} : memref<40x128xi32, #tpu.memory_space<vmem>>, vector<16xi32>,
      tpu.vector_store_idx %arg10[%get3A_79], %gather3A_76 {add = true} : memref<10240xf32, #tpu.memory_space<vmem>>[vector<16xi32>], vector<16xf32>,
      %get3A_80 = arith.index_cast %scan3A_46 : i32 to index
      %get3A_81 = arith.constant 80 : index
      %get3A_82 = tpu.vector_load %arg7[%get3A_80, %get3A_81] {strides = array<i32>} : memref<40x128xi32, #tpu.memory_space<vmem>>, vector<16xi32>,
      %gather3A_83 = tpu.vector_load_idx %arg9[%get3A_82] : memref<10240xf32, #tpu.memory_space<vmem>>[vector<16xi32>], vector<16xf32>,
      %get3A_84 = arith.index_cast %scan3A_46 : i32 to index
      %get3A_85 = arith.constant 80 : index
      %get3A_86 = tpu.vector_load %arg8[%get3A_84, %get3A_85] {strides = array<i32>} : memref<40x128xi32, #tpu.memory_space<vmem>>, vector<16xi32>,
      tpu.vector_store_idx %arg10[%get3A_86], %gather3A_83 {add = true} : memref<10240xf32, #tpu.memory_space<vmem>>[vector<16xi32>], vector<16xf32>,
      %get3A_87 = arith.index_cast %scan3A_46 : i32 to index
      %get3A_88 = arith.constant 96 : index
      %get3A_89 = tpu.vector_load %arg7[%get3A_87, %get3A_88] {strides = array<i32>} : memref<40x128xi32, #tpu.memory_space<vmem>>, vector<16xi32>,
      %gather3A_90 = tpu.vector_load_idx %arg9[%get3A_89] : memref<10240xf32, #tpu.memory_space<vmem>>[vector<16xi32>], vector<16xf32>,
      %get3A_91 = arith.index_cast %scan3A_46 : i32 to index
      %get3A_92 = arith.constant 96 : index
      %get3A_93 = tpu.vector_load %arg8[%get3A_91, %get3A_92] {strides = array<i32>} : memref<40x128xi32, #tpu.memory_space<vmem>>, vector<16xi32>,
      tpu.vector_store_idx %arg10[%get3A_93], %gather3A_90 {add = true} : memref<10240xf32, #tpu.memory_space<vmem>>[vector<16xi32>], vector<16xf32>,
      %get3A_94 = arith.index_cast %scan3A_46 : i32 to index
      %get3A_95 = arith.constant 112 : index
      %get3A_96 = tpu.vector_load %arg7[%get3A_94, %get3A_95] {strides = array<i32>} : memref<40x128xi32, #tpu.memory_space<vmem>>, vector<16xi32>,
      %gather3A_97 = tpu.vector_load_idx %arg9[%get3A_96] : memref<10240xf32, #tpu.memory_space<vmem>>[vector<16xi32>], vector<16xf32>,
      %get3A_98 = arith.index_cast %scan3A_46 : i32 to index
      %get3A_99 = arith.constant 112 : index
      %get3A_100 = tpu.vector_load %arg8[%get3A_98, %get3A_99] {strides = array<i32>} : memref<40x128xi32, #tpu.memory_space<vmem>>, vector<16xi32>,
      tpu.vector_store_idx %arg10[%get3A_100], %gather3A_97 {add = true} : memref<10240xf32, #tpu.memory_space<vmem>>[vector<16xi32>], vector<16xf32>,
    }
    %scan3A_35 = arith.constant 40 : i32
    "tpu.region"() ({
      %run_scoped3A = tpu.sem_alloc : memref<!tpu.dma_semaphore, #tpu.memory_space<semaphore_mem>>
      %dma_start3A_46 = arith.constant 0 : i32
      %dma_start3A_47 = tpu.memref_slice %arg13[%arg1, %dma_start3A_46] : memref<16x10240xf32, #tpu.memory_space<vmem_shared>> -> memref<1x10240xf32, #tpu.memory_space<vmem_shared>>
      %dma_start3A_48 = tpu.memref_squeeze %dma_start3A_47 : memref<1x10240xf32, #tpu.memory_space<vmem_shared>> -> memref<10240xf32, #tpu.memory_space<vmem_shared>>
      %dma_start3A_49 = arith.constant 0 : i32
      %dma_start3A_50 = tpu.memref_slice %arg13[%arg1, %dma_start3A_49] : memref<16x10240xf32, #tpu.memory_space<vmem_shared>> -> memref<1x10240xf32, #tpu.memory_space<vmem_shared>>
      %dma_start3A_51 = tpu.memref_squeeze %dma_start3A_50 : memref<1x10240xf32, #tpu.memory_space<vmem_shared>> -> memref<10240xf32, #tpu.memory_space<vmem_shared>>
      tpu.enqueue_dma source(%arg10 : memref<10240xf32, #tpu.memory_space<vmem>>) target(%dma_start3A_51 : memref<10240xf32, #tpu.memory_space<vmem_shared>>) target_semaphore(%run_scoped3A : memref<!tpu.dma_semaphore, #tpu.memory_space<semaphore_mem>>)
      %dma_wait3A_52 = arith.constant 0 : i32
      %dma_wait3A_53 = tpu.memref_slice %arg13[%arg1, %dma_wait3A_52] : memref<16x10240xf32, #tpu.memory_space<vmem_shared>> -> memref<1x10240xf32, #tpu.memory_space<vmem_shared>>
      %dma_wait3A_54 = tpu.memref_squeeze %dma_wait3A_53 : memref<1x10240xf32, #tpu.memory_space<vmem_shared>> -> memref<10240xf32, #tpu.memory_space<vmem_shared>>
      %dma_wait3A_55 = arith.constant 0 : i32
      %dma_wait3A_56 = tpu.memref_slice %arg13[%arg1, %dma_wait3A_55] : memref<16x10240xf32, #tpu.memory_space<vmem_shared>> -> memref<1x10240xf32, #tpu.memory_space<vmem_shared>>
      %dma_wait3A_57 = tpu.memref_squeeze %dma_wait3A_56 : memref<1x10240xf32, #tpu.memory_space<vmem_shared>> -> memref<10240xf32, #tpu.memory_space<vmem_shared>>
      tpu.wait_dma2 semaphore(%run_scoped3A : memref<!tpu.dma_semaphore, #tpu.memory_space<semaphore_mem>>) src(%arg10 : memref<10240xf32, #tpu.memory_space<vmem>>) dst(%dma_wait3A_57 : memref<10240xf32, #tpu.memory_space<vmem_shared>>)
      tpu.yield
    }) : () -> ()
    %barrier3A = arith.constant 0 : index
    tpu.barrier barrier_id(%barrier3A)
    %mul3A_36 = arith.constant 640 : i32
    %mul3A_37 = arith.muli %arg1, %mul3A_36 : i32
    "tpu.region"() ({
      %run_scoped3A = tpu.sem_alloc : memref<!tpu.dma_semaphore, #tpu.memory_space<semaphore_mem>>
      %dma_start3A_46 = arith.constant 0 : i32
      %dma_start3A_47 = tpu.memref_slice %arg13[%dma_start3A_46, %mul3A_37] : memref<16x10240xf32, #tpu.memory_space<vmem_shared>> -> memref<16x640xf32, #tpu.memory_space<vmem_shared>>
      %dma_start3A_48 = arith.constant 0 : i32
      %dma_start3A_49 = tpu.memref_slice %arg13[%dma_start3A_48, %mul3A_37] : memref<16x10240xf32, #tpu.memory_space<vmem_shared>> -> memref<16x640xf32, #tpu.memory_space<vmem_shared>>
      tpu.enqueue_dma source(%dma_start3A_49 : memref<16x640xf32, #tpu.memory_space<vmem_shared>>) target(%arg11 : memref<16x640xf32, #tpu.memory_space<vmem>>) target_semaphore(%run_scoped3A : memref<!tpu.dma_semaphore, #tpu.memory_space<semaphore_mem>>)
      %dma_wait3A_50 = arith.constant 0 : i32
      %dma_wait3A_51 = tpu.memref_slice %arg13[%dma_wait3A_50, %mul3A_37] : memref<16x10240xf32, #tpu.memory_space<vmem_shared>> -> memref<16x640xf32, #tpu.memory_space<vmem_shared>>
      %dma_wait3A_52 = arith.constant 0 : i32
      %dma_wait3A_53 = tpu.memref_slice %arg13[%dma_wait3A_52, %mul3A_37] : memref<16x10240xf32, #tpu.memory_space<vmem_shared>> -> memref<16x640xf32, #tpu.memory_space<vmem_shared>>
      tpu.wait_dma2 semaphore(%run_scoped3A : memref<!tpu.dma_semaphore, #tpu.memory_space<semaphore_mem>>) src(%dma_wait3A_53 : memref<16x640xf32, #tpu.memory_space<vmem_shared>>) dst(%arg11 : memref<16x640xf32, #tpu.memory_space<vmem>>)
      tpu.yield
    }) : () -> ()
    %scan3A_38 = arith.constant 0 : i32
    %scan3A_39 = arith.constant 0 : i32
    %scan3A_40 = arith.constant 40 : i32
    %scan3A_41 = arith.addi %scan3A_39, %scan3A_40 : i32
    %scan3A_42 = arith.constant 1 : i32
    scf.for %scan3A_46 = %scan3A_39 to %scan3A_41 step %scan3A_42  : i32 {
      %mul3A_47 = arith.constant 16 : i32
      %mul3A_48 = arith.muli %scan3A_46, %mul3A_47 : i32
      %get3A = arith.constant 0 : i32
      %get3A_49 = arith.index_cast %get3A : i32 to index
      %get3A_50 = arith.index_cast %mul3A_48 : i32 to index
      %get3A_51 = tpu.vector_load %arg11[%get3A_49, %get3A_50] {strides = array<i32>} : memref<16x640xf32, #tpu.memory_space<vmem>>, vector<16xf32>,
      %get3A_52 = arith.constant 1 : i32
      %get3A_53 = arith.index_cast %get3A_52 : i32 to index
      %get3A_54 = arith.index_cast %mul3A_48 : i32 to index
      %get3A_55 = tpu.vector_load %arg11[%get3A_53, %get3A_54] {strides = array<i32>} : memref<16x640xf32, #tpu.memory_space<vmem>>, vector<16xf32>,
      %add3A_56 = arith.addf %get3A_51, %get3A_55 : vector<16xf32>
      %get3A_57 = arith.constant 2 : i32
      %get3A_58 = arith.index_cast %get3A_57 : i32 to index
      %get3A_59 = arith.index_cast %mul3A_48 : i32 to index
      %get3A_60 = tpu.vector_load %arg11[%get3A_58, %get3A_59] {strides = array<i32>} : memref<16x640xf32, #tpu.memory_space<vmem>>, vector<16xf32>,
      %add3A_61 = arith.addf %add3A_56, %get3A_60 : vector<16xf32>
      %get3A_62 = arith.constant 3 : i32
      %get3A_63 = arith.index_cast %get3A_62 : i32 to index
      %get3A_64 = arith.index_cast %mul3A_48 : i32 to index
      %get3A_65 = tpu.vector_load %arg11[%get3A_63, %get3A_64] {strides = array<i32>} : memref<16x640xf32, #tpu.memory_space<vmem>>, vector<16xf32>,
      %add3A_66 = arith.addf %add3A_61, %get3A_65 : vector<16xf32>
      %get3A_67 = arith.constant 4 : i32
      %get3A_68 = arith.index_cast %get3A_67 : i32 to index
      %get3A_69 = arith.index_cast %mul3A_48 : i32 to index
      %get3A_70 = tpu.vector_load %arg11[%get3A_68, %get3A_69] {strides = array<i32>} : memref<16x640xf32, #tpu.memory_space<vmem>>, vector<16xf32>,
      %add3A_71 = arith.addf %add3A_66, %get3A_70 : vector<16xf32>
      %get3A_72 = arith.constant 5 : i32
      %get3A_73 = arith.index_cast %get3A_72 : i32 to index
      %get3A_74 = arith.index_cast %mul3A_48 : i32 to index
      %get3A_75 = tpu.vector_load %arg11[%get3A_73, %get3A_74] {strides = array<i32>} : memref<16x640xf32, #tpu.memory_space<vmem>>, vector<16xf32>,
      %add3A_76 = arith.addf %add3A_71, %get3A_75 : vector<16xf32>
      %get3A_77 = arith.constant 6 : i32
      %get3A_78 = arith.index_cast %get3A_77 : i32 to index
      %get3A_79 = arith.index_cast %mul3A_48 : i32 to index
      %get3A_80 = tpu.vector_load %arg11[%get3A_78, %get3A_79] {strides = array<i32>} : memref<16x640xf32, #tpu.memory_space<vmem>>, vector<16xf32>,
      %add3A_81 = arith.addf %add3A_76, %get3A_80 : vector<16xf32>
      %get3A_82 = arith.constant 7 : i32
      %get3A_83 = arith.index_cast %get3A_82 : i32 to index
      %get3A_84 = arith.index_cast %mul3A_48 : i32 to index
      %get3A_85 = tpu.vector_load %arg11[%get3A_83, %get3A_84] {strides = array<i32>} : memref<16x640xf32, #tpu.memory_space<vmem>>, vector<16xf32>,
      %add3A_86 = arith.addf %add3A_81, %get3A_85 : vector<16xf32>
      %get3A_87 = arith.constant 8 : i32
      %get3A_88 = arith.index_cast %get3A_87 : i32 to index
      %get3A_89 = arith.index_cast %mul3A_48 : i32 to index
      %get3A_90 = tpu.vector_load %arg11[%get3A_88, %get3A_89] {strides = array<i32>} : memref<16x640xf32, #tpu.memory_space<vmem>>, vector<16xf32>,
      %add3A_91 = arith.addf %add3A_86, %get3A_90 : vector<16xf32>
      %get3A_92 = arith.constant 9 : i32
      %get3A_93 = arith.index_cast %get3A_92 : i32 to index
      %get3A_94 = arith.index_cast %mul3A_48 : i32 to index
      %get3A_95 = tpu.vector_load %arg11[%get3A_93, %get3A_94] {strides = array<i32>} : memref<16x640xf32, #tpu.memory_space<vmem>>, vector<16xf32>,
      %add3A_96 = arith.addf %add3A_91, %get3A_95 : vector<16xf32>
      %get3A_97 = arith.constant 10 : i32
      %get3A_98 = arith.index_cast %get3A_97 : i32 to index
      %get3A_99 = arith.index_cast %mul3A_48 : i32 to index
      %get3A_100 = tpu.vector_load %arg11[%get3A_98, %get3A_99] {strides = array<i32>} : memref<16x640xf32, #tpu.memory_space<vmem>>, vector<16xf32>,
      %add3A_101 = arith.addf %add3A_96, %get3A_100 : vector<16xf32>
      %get3A_102 = arith.constant 11 : i32
      %get3A_103 = arith.index_cast %get3A_102 : i32 to index
      %get3A_104 = arith.index_cast %mul3A_48 : i32 to index
      %get3A_105 = tpu.vector_load %arg11[%get3A_103, %get3A_104] {strides = array<i32>} : memref<16x640xf32, #tpu.memory_space<vmem>>, vector<16xf32>,
      %add3A_106 = arith.addf %add3A_101, %get3A_105 : vector<16xf32>
      %get3A_107 = arith.constant 12 : i32
      %get3A_108 = arith.index_cast %get3A_107 : i32 to index
      %get3A_109 = arith.index_cast %mul3A_48 : i32 to index
      %get3A_110 = tpu.vector_load %arg11[%get3A_108, %get3A_109] {strides = array<i32>} : memref<16x640xf32, #tpu.memory_space<vmem>>, vector<16xf32>,
      %add3A_111 = arith.addf %add3A_106, %get3A_110 : vector<16xf32>
      %get3A_112 = arith.constant 13 : i32
      %get3A_113 = arith.index_cast %get3A_112 : i32 to index
      %get3A_114 = arith.index_cast %mul3A_48 : i32 to index
      %get3A_115 = tpu.vector_load %arg11[%get3A_113, %get3A_114] {strides = array<i32>} : memref<16x640xf32, #tpu.memory_space<vmem>>, vector<16xf32>,
      %add3A_116 = arith.addf %add3A_111, %get3A_115 : vector<16xf32>
      %get3A_117 = arith.constant 14 : i32
      %get3A_118 = arith.index_cast %get3A_117 : i32 to index
      %get3A_119 = arith.index_cast %mul3A_48 : i32 to index
      %get3A_120 = tpu.vector_load %arg11[%get3A_118, %get3A_119] {strides = array<i32>} : memref<16x640xf32, #tpu.memory_space<vmem>>, vector<16xf32>,
      %add3A_121 = arith.addf %add3A_116, %get3A_120 : vector<16xf32>
      %get3A_122 = arith.constant 15 : i32
      %get3A_123 = arith.index_cast %get3A_122 : i32 to index
      %get3A_124 = arith.index_cast %mul3A_48 : i32 to index
      %get3A_125 = tpu.vector_load %arg11[%get3A_123, %get3A_124] {strides = array<i32>} : memref<16x640xf32, #tpu.memory_space<vmem>>, vector<16xf32>,
      %add3A_126 = arith.addf %add3A_121, %get3A_125 : vector<16xf32>
      %swap3A = arith.index_cast %mul3A_48 : i32 to index
      %swap3A_127 = tpu.vector_load %arg12[%swap3A] {strides = array<i32>} : memref<640xf32, #tpu.memory_space<vmem>>, vector<16xf32>,
      tpu.vector_store %arg12[%swap3A], %add3A_126 {strides = array<i32>} : memref<640xf32, #tpu.memory_space<vmem>>, vector<16xf32>,
    }
    %scan3A_43 = arith.constant 40 : i32
    %mul3A_44 = arith.constant 640 : i32
    %mul3A_45 = arith.muli %arg1, %mul3A_44 : i32
    "tpu.region"() ({
      %run_scoped3A = tpu.sem_alloc : memref<!tpu.dma_semaphore, #tpu.memory_space<semaphore_mem>>
      %dma_start3A_46 = tpu.memref_slice %arg6[%arg0, %mul3A_45] : memref<2x10240xf32, #tpu.memory_space<hbm>> -> memref<1x640xf32, #tpu.memory_space<hbm>>
      %dma_start3A_47 = tpu.memref_squeeze %dma_start3A_46 : memref<1x640xf32, #tpu.memory_space<hbm>> -> memref<640xf32, #tpu.memory_space<hbm>>
      %dma_start3A_48 = tpu.memref_slice %arg6[%arg0, %mul3A_45] : memref<2x10240xf32, #tpu.memory_space<hbm>> -> memref<1x640xf32, #tpu.memory_space<hbm>>
      %dma_start3A_49 = tpu.memref_squeeze %dma_start3A_48 : memref<1x640xf32, #tpu.memory_space<hbm>> -> memref<640xf32, #tpu.memory_space<hbm>>
      tpu.enqueue_dma source(%arg12 : memref<640xf32, #tpu.memory_space<vmem>>) target(%dma_start3A_49 : memref<640xf32, #tpu.memory_space<hbm>>) target_semaphore(%run_scoped3A : memref<!tpu.dma_semaphore, #tpu.memory_space<semaphore_mem>>)
      %dma_wait3A_50 = tpu.memref_slice %arg6[%arg0, %mul3A_45] : memref<2x10240xf32, #tpu.memory_space<hbm>> -> memref<1x640xf32, #tpu.memory_space<hbm>>
      %dma_wait3A_51 = tpu.memref_squeeze %dma_wait3A_50 : memref<1x640xf32, #tpu.memory_space<hbm>> -> memref<640xf32, #tpu.memory_space<hbm>>
      %dma_wait3A_52 = tpu.memref_slice %arg6[%arg0, %mul3A_45] : memref<2x10240xf32, #tpu.memory_space<hbm>> -> memref<1x640xf32, #tpu.memory_space<hbm>>
      %dma_wait3A_53 = tpu.memref_squeeze %dma_wait3A_52 : memref<1x640xf32, #tpu.memory_space<hbm>> -> memref<640xf32, #tpu.memory_space<hbm>>
      tpu.wait_dma2 semaphore(%run_scoped3A : memref<!tpu.dma_semaphore, #tpu.memory_space<semaphore_mem>>) src(%arg12 : memref<640xf32, #tpu.memory_space<vmem>>) dst(%dma_wait3A_53 : memref<640xf32, #tpu.memory_space<hbm>>)
      tpu.yield
    }) : () -> ()
    return
  }
}

#map = affine_map<(d0, d1) -> (0, 0, 0)>
#map1 = affine_map<(d0, d1) -> (0)>
#map2 = affine_map<(d0, d1) -> (0, 0)>
module attributes {stable_mosaic.version = 14 : i64} {
  func.func @_deg_body(%arg0: i32, %arg1: i32, %arg2: memref<32x40x128xi32, #tpu.memory_space<hbm>>, %arg3: memref<10240xf32, #tpu.memory_space<hbm>>, %arg4: memref<2x10240xf32, #tpu.memory_space<hbm>>, %arg5: memref<40x128xi32, #tpu.memory_space<vmem>>, %arg6: memref<10240xf32, #tpu.memory_space<vmem>>, %arg7: memref<16x640xf32, #tpu.memory_space<vmem>>, %arg8: memref<640xf32, #tpu.memory_space<vmem>>, %arg9: memref<16x10240xf32, #tpu.memory_space<vmem_shared>>, %arg10: memref<!tpu.dma_semaphore, #tpu.memory_space<semaphore_mem>>, %arg11: memref<!tpu.dma_semaphore, #tpu.memory_space<semaphore_mem>>) attributes {dimension_semantics = [#tpu.dimension_semantics<core_parallel>, #tpu.dimension_semantics<subcore_parallel>], iteration_bounds = array<i64: 2, 16>, scalar_prefetch = 0 : i64, scratch_operands = 7 : i64, tpu.core_type = #tpu.core_type<sc_vector_subcore>, window_params = [{transform_indices = #map}, {transform_indices = #map1}, {transform_indices = #map2}]} {
    %mul3A = arith.constant 16 : i32
    %mul3A_0 = arith.muli %arg0, %mul3A : i32
    %add3A = arith.addi %mul3A_0, %arg1 : i32
    %dma_start3A = arith.constant 0 : i32
    %dma_start3A_1 = arith.constant 0 : i32
    %dma_start3A_2 = tpu.memref_slice %arg2[%add3A, %dma_start3A, %dma_start3A_1] : memref<32x40x128xi32, #tpu.memory_space<hbm>> -> memref<1x40x128xi32, #tpu.memory_space<hbm>>
    %dma_start3A_3 = tpu.memref_squeeze %dma_start3A_2 : memref<1x40x128xi32, #tpu.memory_space<hbm>> -> memref<40x128xi32, #tpu.memory_space<hbm>>
    %dma_start3A_4 = arith.constant 0 : i32
    %dma_start3A_5 = arith.constant 0 : i32
    %dma_start3A_6 = tpu.memref_slice %arg2[%add3A, %dma_start3A_4, %dma_start3A_5] : memref<32x40x128xi32, #tpu.memory_space<hbm>> -> memref<1x40x128xi32, #tpu.memory_space<hbm>>
    %dma_start3A_7 = tpu.memref_squeeze %dma_start3A_6 : memref<1x40x128xi32, #tpu.memory_space<hbm>> -> memref<40x128xi32, #tpu.memory_space<hbm>>
    tpu.enqueue_dma source(%dma_start3A_7 : memref<40x128xi32, #tpu.memory_space<hbm>>) target(%arg5 : memref<40x128xi32, #tpu.memory_space<vmem>>) target_semaphore(%arg10 : memref<!tpu.dma_semaphore, #tpu.memory_space<semaphore_mem>>)
    tpu.enqueue_dma source(%arg3 : memref<10240xf32, #tpu.memory_space<hbm>>) target(%arg6 : memref<10240xf32, #tpu.memory_space<vmem>>) target_semaphore(%arg11 : memref<!tpu.dma_semaphore, #tpu.memory_space<semaphore_mem>>)
    %dma_wait3A = arith.constant 0 : i32
    %dma_wait3A_8 = arith.constant 0 : i32
    %dma_wait3A_9 = tpu.memref_slice %arg2[%add3A, %dma_wait3A, %dma_wait3A_8] : memref<32x40x128xi32, #tpu.memory_space<hbm>> -> memref<1x40x128xi32, #tpu.memory_space<hbm>>
    %dma_wait3A_10 = tpu.memref_squeeze %dma_wait3A_9 : memref<1x40x128xi32, #tpu.memory_space<hbm>> -> memref<40x128xi32, #tpu.memory_space<hbm>>
    %dma_wait3A_11 = arith.constant 0 : i32
    %dma_wait3A_12 = arith.constant 0 : i32
    %dma_wait3A_13 = tpu.memref_slice %arg2[%add3A, %dma_wait3A_11, %dma_wait3A_12] : memref<32x40x128xi32, #tpu.memory_space<hbm>> -> memref<1x40x128xi32, #tpu.memory_space<hbm>>
    %dma_wait3A_14 = tpu.memref_squeeze %dma_wait3A_13 : memref<1x40x128xi32, #tpu.memory_space<hbm>> -> memref<40x128xi32, #tpu.memory_space<hbm>>
    tpu.wait_dma2 semaphore(%arg10 : memref<!tpu.dma_semaphore, #tpu.memory_space<semaphore_mem>>) src(%dma_wait3A_14 : memref<40x128xi32, #tpu.memory_space<hbm>>) dst(%arg5 : memref<40x128xi32, #tpu.memory_space<vmem>>)
    tpu.wait_dma2 semaphore(%arg11 : memref<!tpu.dma_semaphore, #tpu.memory_space<semaphore_mem>>) src(%arg3 : memref<10240xf32, #tpu.memory_space<hbm>>) dst(%arg6 : memref<10240xf32, #tpu.memory_space<vmem>>)
    %broadcast_in_dim3A = arith.constant 1.000000e+00 : f32
    %broadcast_in_dim3A_15 = vector.broadcast %broadcast_in_dim3A : f32 to vector<16xf32>
    %scan3A = arith.constant 0 : i32
    %scan3A_16 = arith.constant 0 : i32
    %scan3A_17 = arith.constant 40 : i32
    %scan3A_18 = arith.addi %scan3A_16, %scan3A_17 : i32
    %scan3A_19 = arith.constant 1 : i32
    scf.for %scan3A_31 = %scan3A_16 to %scan3A_18 step %scan3A_19  : i32 {
      %get3A = arith.index_cast %scan3A_31 : i32 to index
      %get3A_32 = arith.constant 0 : index
      %get3A_33 = tpu.vector_load %arg5[%get3A, %get3A_32] {strides = array<i32>} : memref<40x128xi32, #tpu.memory_space<vmem>>, vector<16xi32>,
      tpu.vector_store_idx %arg6[%get3A_33], %broadcast_in_dim3A_15 {add = true} : memref<10240xf32, #tpu.memory_space<vmem>>[vector<16xi32>], vector<16xf32>,
      %get3A_34 = arith.index_cast %scan3A_31 : i32 to index
      %get3A_35 = arith.constant 16 : index
      %get3A_36 = tpu.vector_load %arg5[%get3A_34, %get3A_35] {strides = array<i32>} : memref<40x128xi32, #tpu.memory_space<vmem>>, vector<16xi32>,
      tpu.vector_store_idx %arg6[%get3A_36], %broadcast_in_dim3A_15 {add = true} : memref<10240xf32, #tpu.memory_space<vmem>>[vector<16xi32>], vector<16xf32>,
      %get3A_37 = arith.index_cast %scan3A_31 : i32 to index
      %get3A_38 = arith.constant 32 : index
      %get3A_39 = tpu.vector_load %arg5[%get3A_37, %get3A_38] {strides = array<i32>} : memref<40x128xi32, #tpu.memory_space<vmem>>, vector<16xi32>,
      tpu.vector_store_idx %arg6[%get3A_39], %broadcast_in_dim3A_15 {add = true} : memref<10240xf32, #tpu.memory_space<vmem>>[vector<16xi32>], vector<16xf32>,
      %get3A_40 = arith.index_cast %scan3A_31 : i32 to index
      %get3A_41 = arith.constant 48 : index
      %get3A_42 = tpu.vector_load %arg5[%get3A_40, %get3A_41] {strides = array<i32>} : memref<40x128xi32, #tpu.memory_space<vmem>>, vector<16xi32>,
      tpu.vector_store_idx %arg6[%get3A_42], %broadcast_in_dim3A_15 {add = true} : memref<10240xf32, #tpu.memory_space<vmem>>[vector<16xi32>], vector<16xf32>,
      %get3A_43 = arith.index_cast %scan3A_31 : i32 to index
      %get3A_44 = arith.constant 64 : index
      %get3A_45 = tpu.vector_load %arg5[%get3A_43, %get3A_44] {strides = array<i32>} : memref<40x128xi32, #tpu.memory_space<vmem>>, vector<16xi32>,
      tpu.vector_store_idx %arg6[%get3A_45], %broadcast_in_dim3A_15 {add = true} : memref<10240xf32, #tpu.memory_space<vmem>>[vector<16xi32>], vector<16xf32>,
      %get3A_46 = arith.index_cast %scan3A_31 : i32 to index
      %get3A_47 = arith.constant 80 : index
      %get3A_48 = tpu.vector_load %arg5[%get3A_46, %get3A_47] {strides = array<i32>} : memref<40x128xi32, #tpu.memory_space<vmem>>, vector<16xi32>,
      tpu.vector_store_idx %arg6[%get3A_48], %broadcast_in_dim3A_15 {add = true} : memref<10240xf32, #tpu.memory_space<vmem>>[vector<16xi32>], vector<16xf32>,
      %get3A_49 = arith.index_cast %scan3A_31 : i32 to index
      %get3A_50 = arith.constant 96 : index
      %get3A_51 = tpu.vector_load %arg5[%get3A_49, %get3A_50] {strides = array<i32>} : memref<40x128xi32, #tpu.memory_space<vmem>>, vector<16xi32>,
      tpu.vector_store_idx %arg6[%get3A_51], %broadcast_in_dim3A_15 {add = true} : memref<10240xf32, #tpu.memory_space<vmem>>[vector<16xi32>], vector<16xf32>,
      %get3A_52 = arith.index_cast %scan3A_31 : i32 to index
      %get3A_53 = arith.constant 112 : index
      %get3A_54 = tpu.vector_load %arg5[%get3A_52, %get3A_53] {strides = array<i32>} : memref<40x128xi32, #tpu.memory_space<vmem>>, vector<16xi32>,
      tpu.vector_store_idx %arg6[%get3A_54], %broadcast_in_dim3A_15 {add = true} : memref<10240xf32, #tpu.memory_space<vmem>>[vector<16xi32>], vector<16xf32>,
    }
    %scan3A_20 = arith.constant 40 : i32
    "tpu.region"() ({
      %run_scoped3A = tpu.sem_alloc : memref<!tpu.dma_semaphore, #tpu.memory_space<semaphore_mem>>
      %dma_start3A_31 = arith.constant 0 : i32
      %dma_start3A_32 = tpu.memref_slice %arg9[%arg1, %dma_start3A_31] : memref<16x10240xf32, #tpu.memory_space<vmem_shared>> -> memref<1x10240xf32, #tpu.memory_space<vmem_shared>>
      %dma_start3A_33 = tpu.memref_squeeze %dma_start3A_32 : memref<1x10240xf32, #tpu.memory_space<vmem_shared>> -> memref<10240xf32, #tpu.memory_space<vmem_shared>>
      %dma_start3A_34 = arith.constant 0 : i32
      %dma_start3A_35 = tpu.memref_slice %arg9[%arg1, %dma_start3A_34] : memref<16x10240xf32, #tpu.memory_space<vmem_shared>> -> memref<1x10240xf32, #tpu.memory_space<vmem_shared>>
      %dma_start3A_36 = tpu.memref_squeeze %dma_start3A_35 : memref<1x10240xf32, #tpu.memory_space<vmem_shared>> -> memref<10240xf32, #tpu.memory_space<vmem_shared>>
      tpu.enqueue_dma source(%arg6 : memref<10240xf32, #tpu.memory_space<vmem>>) target(%dma_start3A_36 : memref<10240xf32, #tpu.memory_space<vmem_shared>>) target_semaphore(%run_scoped3A : memref<!tpu.dma_semaphore, #tpu.memory_space<semaphore_mem>>)
      %dma_wait3A_37 = arith.constant 0 : i32
      %dma_wait3A_38 = tpu.memref_slice %arg9[%arg1, %dma_wait3A_37] : memref<16x10240xf32, #tpu.memory_space<vmem_shared>> -> memref<1x10240xf32, #tpu.memory_space<vmem_shared>>
      %dma_wait3A_39 = tpu.memref_squeeze %dma_wait3A_38 : memref<1x10240xf32, #tpu.memory_space<vmem_shared>> -> memref<10240xf32, #tpu.memory_space<vmem_shared>>
      %dma_wait3A_40 = arith.constant 0 : i32
      %dma_wait3A_41 = tpu.memref_slice %arg9[%arg1, %dma_wait3A_40] : memref<16x10240xf32, #tpu.memory_space<vmem_shared>> -> memref<1x10240xf32, #tpu.memory_space<vmem_shared>>
      %dma_wait3A_42 = tpu.memref_squeeze %dma_wait3A_41 : memref<1x10240xf32, #tpu.memory_space<vmem_shared>> -> memref<10240xf32, #tpu.memory_space<vmem_shared>>
      tpu.wait_dma2 semaphore(%run_scoped3A : memref<!tpu.dma_semaphore, #tpu.memory_space<semaphore_mem>>) src(%arg6 : memref<10240xf32, #tpu.memory_space<vmem>>) dst(%dma_wait3A_42 : memref<10240xf32, #tpu.memory_space<vmem_shared>>)
      tpu.yield
    }) : () -> ()
    %barrier3A = arith.constant 0 : index
    tpu.barrier barrier_id(%barrier3A)
    %mul3A_21 = arith.constant 640 : i32
    %mul3A_22 = arith.muli %arg1, %mul3A_21 : i32
    "tpu.region"() ({
      %run_scoped3A = tpu.sem_alloc : memref<!tpu.dma_semaphore, #tpu.memory_space<semaphore_mem>>
      %dma_start3A_31 = arith.constant 0 : i32
      %dma_start3A_32 = tpu.memref_slice %arg9[%dma_start3A_31, %mul3A_22] : memref<16x10240xf32, #tpu.memory_space<vmem_shared>> -> memref<16x640xf32, #tpu.memory_space<vmem_shared>>
      %dma_start3A_33 = arith.constant 0 : i32
      %dma_start3A_34 = tpu.memref_slice %arg9[%dma_start3A_33, %mul3A_22] : memref<16x10240xf32, #tpu.memory_space<vmem_shared>> -> memref<16x640xf32, #tpu.memory_space<vmem_shared>>
      tpu.enqueue_dma source(%dma_start3A_34 : memref<16x640xf32, #tpu.memory_space<vmem_shared>>) target(%arg7 : memref<16x640xf32, #tpu.memory_space<vmem>>) target_semaphore(%run_scoped3A : memref<!tpu.dma_semaphore, #tpu.memory_space<semaphore_mem>>)
      %dma_wait3A_35 = arith.constant 0 : i32
      %dma_wait3A_36 = tpu.memref_slice %arg9[%dma_wait3A_35, %mul3A_22] : memref<16x10240xf32, #tpu.memory_space<vmem_shared>> -> memref<16x640xf32, #tpu.memory_space<vmem_shared>>
      %dma_wait3A_37 = arith.constant 0 : i32
      %dma_wait3A_38 = tpu.memref_slice %arg9[%dma_wait3A_37, %mul3A_22] : memref<16x10240xf32, #tpu.memory_space<vmem_shared>> -> memref<16x640xf32, #tpu.memory_space<vmem_shared>>
      tpu.wait_dma2 semaphore(%run_scoped3A : memref<!tpu.dma_semaphore, #tpu.memory_space<semaphore_mem>>) src(%dma_wait3A_38 : memref<16x640xf32, #tpu.memory_space<vmem_shared>>) dst(%arg7 : memref<16x640xf32, #tpu.memory_space<vmem>>)
      tpu.yield
    }) : () -> ()
    %scan3A_23 = arith.constant 0 : i32
    %scan3A_24 = arith.constant 0 : i32
    %scan3A_25 = arith.constant 40 : i32
    %scan3A_26 = arith.addi %scan3A_24, %scan3A_25 : i32
    %scan3A_27 = arith.constant 1 : i32
    scf.for %scan3A_31 = %scan3A_24 to %scan3A_26 step %scan3A_27  : i32 {
      %mul3A_32 = arith.constant 16 : i32
      %mul3A_33 = arith.muli %scan3A_31, %mul3A_32 : i32
      %get3A = arith.constant 0 : i32
      %get3A_34 = arith.index_cast %get3A : i32 to index
      %get3A_35 = arith.index_cast %mul3A_33 : i32 to index
      %get3A_36 = tpu.vector_load %arg7[%get3A_34, %get3A_35] {strides = array<i32>} : memref<16x640xf32, #tpu.memory_space<vmem>>, vector<16xf32>,
      %get3A_37 = arith.constant 1 : i32
      %get3A_38 = arith.index_cast %get3A_37 : i32 to index
      %get3A_39 = arith.index_cast %mul3A_33 : i32 to index
      %get3A_40 = tpu.vector_load %arg7[%get3A_38, %get3A_39] {strides = array<i32>} : memref<16x640xf32, #tpu.memory_space<vmem>>, vector<16xf32>,
      %add3A_41 = arith.addf %get3A_36, %get3A_40 : vector<16xf32>
      %get3A_42 = arith.constant 2 : i32
      %get3A_43 = arith.index_cast %get3A_42 : i32 to index
      %get3A_44 = arith.index_cast %mul3A_33 : i32 to index
      %get3A_45 = tpu.vector_load %arg7[%get3A_43, %get3A_44] {strides = array<i32>} : memref<16x640xf32, #tpu.memory_space<vmem>>, vector<16xf32>,
      %add3A_46 = arith.addf %add3A_41, %get3A_45 : vector<16xf32>
      %get3A_47 = arith.constant 3 : i32
      %get3A_48 = arith.index_cast %get3A_47 : i32 to index
      %get3A_49 = arith.index_cast %mul3A_33 : i32 to index
      %get3A_50 = tpu.vector_load %arg7[%get3A_48, %get3A_49] {strides = array<i32>} : memref<16x640xf32, #tpu.memory_space<vmem>>, vector<16xf32>,
      %add3A_51 = arith.addf %add3A_46, %get3A_50 : vector<16xf32>
      %get3A_52 = arith.constant 4 : i32
      %get3A_53 = arith.index_cast %get3A_52 : i32 to index
      %get3A_54 = arith.index_cast %mul3A_33 : i32 to index
      %get3A_55 = tpu.vector_load %arg7[%get3A_53, %get3A_54] {strides = array<i32>} : memref<16x640xf32, #tpu.memory_space<vmem>>, vector<16xf32>,
      %add3A_56 = arith.addf %add3A_51, %get3A_55 : vector<16xf32>
      %get3A_57 = arith.constant 5 : i32
      %get3A_58 = arith.index_cast %get3A_57 : i32 to index
      %get3A_59 = arith.index_cast %mul3A_33 : i32 to index
      %get3A_60 = tpu.vector_load %arg7[%get3A_58, %get3A_59] {strides = array<i32>} : memref<16x640xf32, #tpu.memory_space<vmem>>, vector<16xf32>,
      %add3A_61 = arith.addf %add3A_56, %get3A_60 : vector<16xf32>
      %get3A_62 = arith.constant 6 : i32
      %get3A_63 = arith.index_cast %get3A_62 : i32 to index
      %get3A_64 = arith.index_cast %mul3A_33 : i32 to index
      %get3A_65 = tpu.vector_load %arg7[%get3A_63, %get3A_64] {strides = array<i32>} : memref<16x640xf32, #tpu.memory_space<vmem>>, vector<16xf32>,
      %add3A_66 = arith.addf %add3A_61, %get3A_65 : vector<16xf32>
      %get3A_67 = arith.constant 7 : i32
      %get3A_68 = arith.index_cast %get3A_67 : i32 to index
      %get3A_69 = arith.index_cast %mul3A_33 : i32 to index
      %get3A_70 = tpu.vector_load %arg7[%get3A_68, %get3A_69] {strides = array<i32>} : memref<16x640xf32, #tpu.memory_space<vmem>>, vector<16xf32>,
      %add3A_71 = arith.addf %add3A_66, %get3A_70 : vector<16xf32>
      %get3A_72 = arith.constant 8 : i32
      %get3A_73 = arith.index_cast %get3A_72 : i32 to index
      %get3A_74 = arith.index_cast %mul3A_33 : i32 to index
      %get3A_75 = tpu.vector_load %arg7[%get3A_73, %get3A_74] {strides = array<i32>} : memref<16x640xf32, #tpu.memory_space<vmem>>, vector<16xf32>,
      %add3A_76 = arith.addf %add3A_71, %get3A_75 : vector<16xf32>
      %get3A_77 = arith.constant 9 : i32
      %get3A_78 = arith.index_cast %get3A_77 : i32 to index
      %get3A_79 = arith.index_cast %mul3A_33 : i32 to index
      %get3A_80 = tpu.vector_load %arg7[%get3A_78, %get3A_79] {strides = array<i32>} : memref<16x640xf32, #tpu.memory_space<vmem>>, vector<16xf32>,
      %add3A_81 = arith.addf %add3A_76, %get3A_80 : vector<16xf32>
      %get3A_82 = arith.constant 10 : i32
      %get3A_83 = arith.index_cast %get3A_82 : i32 to index
      %get3A_84 = arith.index_cast %mul3A_33 : i32 to index
      %get3A_85 = tpu.vector_load %arg7[%get3A_83, %get3A_84] {strides = array<i32>} : memref<16x640xf32, #tpu.memory_space<vmem>>, vector<16xf32>,
      %add3A_86 = arith.addf %add3A_81, %get3A_85 : vector<16xf32>
      %get3A_87 = arith.constant 11 : i32
      %get3A_88 = arith.index_cast %get3A_87 : i32 to index
      %get3A_89 = arith.index_cast %mul3A_33 : i32 to index
      %get3A_90 = tpu.vector_load %arg7[%get3A_88, %get3A_89] {strides = array<i32>} : memref<16x640xf32, #tpu.memory_space<vmem>>, vector<16xf32>,
      %add3A_91 = arith.addf %add3A_86, %get3A_90 : vector<16xf32>
      %get3A_92 = arith.constant 12 : i32
      %get3A_93 = arith.index_cast %get3A_92 : i32 to index
      %get3A_94 = arith.index_cast %mul3A_33 : i32 to index
      %get3A_95 = tpu.vector_load %arg7[%get3A_93, %get3A_94] {strides = array<i32>} : memref<16x640xf32, #tpu.memory_space<vmem>>, vector<16xf32>,
      %add3A_96 = arith.addf %add3A_91, %get3A_95 : vector<16xf32>
      %get3A_97 = arith.constant 13 : i32
      %get3A_98 = arith.index_cast %get3A_97 : i32 to index
      %get3A_99 = arith.index_cast %mul3A_33 : i32 to index
      %get3A_100 = tpu.vector_load %arg7[%get3A_98, %get3A_99] {strides = array<i32>} : memref<16x640xf32, #tpu.memory_space<vmem>>, vector<16xf32>,
      %add3A_101 = arith.addf %add3A_96, %get3A_100 : vector<16xf32>
      %get3A_102 = arith.constant 14 : i32
      %get3A_103 = arith.index_cast %get3A_102 : i32 to index
      %get3A_104 = arith.index_cast %mul3A_33 : i32 to index
      %get3A_105 = tpu.vector_load %arg7[%get3A_103, %get3A_104] {strides = array<i32>} : memref<16x640xf32, #tpu.memory_space<vmem>>, vector<16xf32>,
      %add3A_106 = arith.addf %add3A_101, %get3A_105 : vector<16xf32>
      %get3A_107 = arith.constant 15 : i32
      %get3A_108 = arith.index_cast %get3A_107 : i32 to index
      %get3A_109 = arith.index_cast %mul3A_33 : i32 to index
      %get3A_110 = tpu.vector_load %arg7[%get3A_108, %get3A_109] {strides = array<i32>} : memref<16x640xf32, #tpu.memory_space<vmem>>, vector<16xf32>,
      %add3A_111 = arith.addf %add3A_106, %get3A_110 : vector<16xf32>
      %swap3A = arith.index_cast %mul3A_33 : i32 to index
      %swap3A_112 = tpu.vector_load %arg8[%swap3A] {strides = array<i32>} : memref<640xf32, #tpu.memory_space<vmem>>, vector<16xf32>,
      tpu.vector_store %arg8[%swap3A], %add3A_111 {strides = array<i32>} : memref<640xf32, #tpu.memory_space<vmem>>, vector<16xf32>,
    }
    %scan3A_28 = arith.constant 40 : i32
    %mul3A_29 = arith.constant 640 : i32
    %mul3A_30 = arith.muli %arg1, %mul3A_29 : i32
    "tpu.region"() ({
      %run_scoped3A = tpu.sem_alloc : memref<!tpu.dma_semaphore, #tpu.memory_space<semaphore_mem>>
      %dma_start3A_31 = tpu.memref_slice %arg4[%arg0, %mul3A_30] : memref<2x10240xf32, #tpu.memory_space<hbm>> -> memref<1x640xf32, #tpu.memory_space<hbm>>
      %dma_start3A_32 = tpu.memref_squeeze %dma_start3A_31 : memref<1x640xf32, #tpu.memory_space<hbm>> -> memref<640xf32, #tpu.memory_space<hbm>>
      %dma_start3A_33 = tpu.memref_slice %arg4[%arg0, %mul3A_30] : memref<2x10240xf32, #tpu.memory_space<hbm>> -> memref<1x640xf32, #tpu.memory_space<hbm>>
      %dma_start3A_34 = tpu.memref_squeeze %dma_start3A_33 : memref<1x640xf32, #tpu.memory_space<hbm>> -> memref<640xf32, #tpu.memory_space<hbm>>
      tpu.enqueue_dma source(%arg8 : memref<640xf32, #tpu.memory_space<vmem>>) target(%dma_start3A_34 : memref<640xf32, #tpu.memory_space<hbm>>) target_semaphore(%run_scoped3A : memref<!tpu.dma_semaphore, #tpu.memory_space<semaphore_mem>>)
      %dma_wait3A_35 = tpu.memref_slice %arg4[%arg0, %mul3A_30] : memref<2x10240xf32, #tpu.memory_space<hbm>> -> memref<1x640xf32, #tpu.memory_space<hbm>>
      %dma_wait3A_36 = tpu.memref_squeeze %dma_wait3A_35 : memref<1x640xf32, #tpu.memory_space<hbm>> -> memref<640xf32, #tpu.memory_space<hbm>>
      %dma_wait3A_37 = tpu.memref_slice %arg4[%arg0, %mul3A_30] : memref<2x10240xf32, #tpu.memory_space<hbm>> -> memref<1x640xf32, #tpu.memory_space<hbm>>
      %dma_wait3A_38 = tpu.memref_squeeze %dma_wait3A_37 : memref<1x640xf32, #tpu.memory_space<hbm>> -> memref<640xf32, #tpu.memory_space<hbm>>
      tpu.wait_dma2 semaphore(%run_scoped3A : memref<!tpu.dma_semaphore, #tpu.memory_space<semaphore_mem>>) src(%arg8 : memref<640xf32, #tpu.memory_space<vmem>>) dst(%dma_wait3A_38 : memref<640xf32, #tpu.memory_space<hbm>>)
      tpu.yield
    }) : () -> ()
    return
  }
}

#map = affine_map<(d0, d1) -> (0, 0)>
#map1 = affine_map<(d0, d1) -> (0, 0, 0)>
module attributes {stable_mosaic.version = 14 : i64} {
  func.func @_spmm_body(%arg0: i32, %arg1: i32, %arg2: memref<10240x128xf32, #tpu.memory_space<hbm>>, %arg3: memref<32x40x128xi32, #tpu.memory_space<hbm>>, %arg4: memref<32x40x128xi32, #tpu.memory_space<hbm>>, %arg5: memref<128x128xf32, #tpu.memory_space<hbm>>, %arg6: memref<2x10240x128xf32, #tpu.memory_space<hbm>>, %arg7: memref<40x128xi32, #tpu.memory_space<vmem>>, %arg8: memref<40x128xi32, #tpu.memory_space<vmem>>, %arg9: memref<128x128xf32, #tpu.memory_space<vmem>>, %arg10: memref<128x128xf32, #tpu.memory_space<vmem>>, %arg11: memref<10240x128xf32, #tpu.memory_space<vmem_shared>>, %arg12: memref<!tpu.dma_semaphore, #tpu.memory_space<semaphore_mem>>, %arg13: memref<!tpu.dma_semaphore, #tpu.memory_space<semaphore_mem>>, %arg14: memref<!tpu.dma_semaphore, #tpu.memory_space<semaphore_mem>>, %arg15: memref<!tpu.dma_semaphore, #tpu.memory_space<semaphore_mem>>) attributes {dimension_semantics = [#tpu.dimension_semantics<core_parallel>, #tpu.dimension_semantics<subcore_parallel>], iteration_bounds = array<i64: 2, 16>, scalar_prefetch = 0 : i64, scratch_operands = 9 : i64, tpu.core_type = #tpu.core_type<sc_vector_subcore>, window_params = [{transform_indices = #map}, {transform_indices = #map1}, {transform_indices = #map1}, {transform_indices = #map}, {transform_indices = #map1}]} {
    %mul3A = arith.constant 16 : i32
    %mul3A_0 = arith.muli %arg0, %mul3A : i32
    %add3A = arith.addi %mul3A_0, %arg1 : i32
    "tpu.region"() ({
      %run_scoped3A = tpu.sem_alloc : memref<!tpu.dma_semaphore, #tpu.memory_space<semaphore_mem>>
      tpu.enqueue_dma source(%arg5 : memref<128x128xf32, #tpu.memory_space<hbm>>) target(%arg9 : memref<128x128xf32, #tpu.memory_space<vmem>>) target_semaphore(%run_scoped3A : memref<!tpu.dma_semaphore, #tpu.memory_space<semaphore_mem>>)
      tpu.wait_dma2 semaphore(%run_scoped3A : memref<!tpu.dma_semaphore, #tpu.memory_space<semaphore_mem>>) src(%arg5 : memref<128x128xf32, #tpu.memory_space<hbm>>) dst(%arg9 : memref<128x128xf32, #tpu.memory_space<vmem>>)
      tpu.yield
    }) : () -> ()
    %mul3A_1 = arith.constant 640 : i32
    %mul3A_2 = arith.muli %arg1, %mul3A_1 : i32
    %add3A_3 = arith.constant 0 : i32
    %add3A_4 = arith.addi %mul3A_2, %add3A_3 : i32
    "tpu.region"() ({
      %run_scoped3A = tpu.sem_alloc : memref<!tpu.dma_semaphore, #tpu.memory_space<semaphore_mem>>
      %dma_start3A_227 = arith.constant 0 : i32
      %dma_start3A_228 = tpu.memref_slice %arg11[%add3A_4, %dma_start3A_227] : memref<10240x128xf32, #tpu.memory_space<vmem_shared>> -> memref<128x128xf32, #tpu.memory_space<vmem_shared>>
      %dma_start3A_229 = arith.constant 0 : i32
      %dma_start3A_230 = tpu.memref_slice %arg11[%add3A_4, %dma_start3A_229] : memref<10240x128xf32, #tpu.memory_space<vmem_shared>> -> memref<128x128xf32, #tpu.memory_space<vmem_shared>>
      tpu.enqueue_dma source(%arg9 : memref<128x128xf32, #tpu.memory_space<vmem>>) target(%dma_start3A_230 : memref<128x128xf32, #tpu.memory_space<vmem_shared>>) target_semaphore(%run_scoped3A : memref<!tpu.dma_semaphore, #tpu.memory_space<semaphore_mem>>)
      %dma_wait3A_231 = arith.constant 0 : i32
      %dma_wait3A_232 = tpu.memref_slice %arg11[%add3A_4, %dma_wait3A_231] : memref<10240x128xf32, #tpu.memory_space<vmem_shared>> -> memref<128x128xf32, #tpu.memory_space<vmem_shared>>
      %dma_wait3A_233 = arith.constant 0 : i32
      %dma_wait3A_234 = tpu.memref_slice %arg11[%add3A_4, %dma_wait3A_233] : memref<10240x128xf32, #tpu.memory_space<vmem_shared>> -> memref<128x128xf32, #tpu.memory_space<vmem_shared>>
      tpu.wait_dma2 semaphore(%run_scoped3A : memref<!tpu.dma_semaphore, #tpu.memory_space<semaphore_mem>>) src(%arg9 : memref<128x128xf32, #tpu.memory_space<vmem>>) dst(%dma_wait3A_234 : memref<128x128xf32, #tpu.memory_space<vmem_shared>>)
      tpu.yield
    }) : () -> ()
    %mul3A_5 = arith.constant 640 : i32
    %mul3A_6 = arith.muli %arg1, %mul3A_5 : i32
    %add3A_7 = arith.constant 128 : i32
    %add3A_8 = arith.addi %mul3A_6, %add3A_7 : i32
    "tpu.region"() ({
      %run_scoped3A = tpu.sem_alloc : memref<!tpu.dma_semaphore, #tpu.memory_space<semaphore_mem>>
      %dma_start3A_227 = arith.constant 0 : i32
      %dma_start3A_228 = tpu.memref_slice %arg11[%add3A_8, %dma_start3A_227] : memref<10240x128xf32, #tpu.memory_space<vmem_shared>> -> memref<128x128xf32, #tpu.memory_space<vmem_shared>>
      %dma_start3A_229 = arith.constant 0 : i32
      %dma_start3A_230 = tpu.memref_slice %arg11[%add3A_8, %dma_start3A_229] : memref<10240x128xf32, #tpu.memory_space<vmem_shared>> -> memref<128x128xf32, #tpu.memory_space<vmem_shared>>
      tpu.enqueue_dma source(%arg9 : memref<128x128xf32, #tpu.memory_space<vmem>>) target(%dma_start3A_230 : memref<128x128xf32, #tpu.memory_space<vmem_shared>>) target_semaphore(%run_scoped3A : memref<!tpu.dma_semaphore, #tpu.memory_space<semaphore_mem>>)
      %dma_wait3A_231 = arith.constant 0 : i32
      %dma_wait3A_232 = tpu.memref_slice %arg11[%add3A_8, %dma_wait3A_231] : memref<10240x128xf32, #tpu.memory_space<vmem_shared>> -> memref<128x128xf32, #tpu.memory_space<vmem_shared>>
      %dma_wait3A_233 = arith.constant 0 : i32
      %dma_wait3A_234 = tpu.memref_slice %arg11[%add3A_8, %dma_wait3A_233] : memref<10240x128xf32, #tpu.memory_space<vmem_shared>> -> memref<128x128xf32, #tpu.memory_space<vmem_shared>>
      tpu.wait_dma2 semaphore(%run_scoped3A : memref<!tpu.dma_semaphore, #tpu.memory_space<semaphore_mem>>) src(%arg9 : memref<128x128xf32, #tpu.memory_space<vmem>>) dst(%dma_wait3A_234 : memref<128x128xf32, #tpu.memory_space<vmem_shared>>)
      tpu.yield
    }) : () -> ()
    %mul3A_9 = arith.constant 640 : i32
    %mul3A_10 = arith.muli %arg1, %mul3A_9 : i32
    %add3A_11 = arith.constant 256 : i32
    %add3A_12 = arith.addi %mul3A_10, %add3A_11 : i32
    "tpu.region"() ({
      %run_scoped3A = tpu.sem_alloc : memref<!tpu.dma_semaphore, #tpu.memory_space<semaphore_mem>>
      %dma_start3A_227 = arith.constant 0 : i32
      %dma_start3A_228 = tpu.memref_slice %arg11[%add3A_12, %dma_start3A_227] : memref<10240x128xf32, #tpu.memory_space<vmem_shared>> -> memref<128x128xf32, #tpu.memory_space<vmem_shared>>
      %dma_start3A_229 = arith.constant 0 : i32
      %dma_start3A_230 = tpu.memref_slice %arg11[%add3A_12, %dma_start3A_229] : memref<10240x128xf32, #tpu.memory_space<vmem_shared>> -> memref<128x128xf32, #tpu.memory_space<vmem_shared>>
      tpu.enqueue_dma source(%arg9 : memref<128x128xf32, #tpu.memory_space<vmem>>) target(%dma_start3A_230 : memref<128x128xf32, #tpu.memory_space<vmem_shared>>) target_semaphore(%run_scoped3A : memref<!tpu.dma_semaphore, #tpu.memory_space<semaphore_mem>>)
      %dma_wait3A_231 = arith.constant 0 : i32
      %dma_wait3A_232 = tpu.memref_slice %arg11[%add3A_12, %dma_wait3A_231] : memref<10240x128xf32, #tpu.memory_space<vmem_shared>> -> memref<128x128xf32, #tpu.memory_space<vmem_shared>>
      %dma_wait3A_233 = arith.constant 0 : i32
      %dma_wait3A_234 = tpu.memref_slice %arg11[%add3A_12, %dma_wait3A_233] : memref<10240x128xf32, #tpu.memory_space<vmem_shared>> -> memref<128x128xf32, #tpu.memory_space<vmem_shared>>
      tpu.wait_dma2 semaphore(%run_scoped3A : memref<!tpu.dma_semaphore, #tpu.memory_space<semaphore_mem>>) src(%arg9 : memref<128x128xf32, #tpu.memory_space<vmem>>) dst(%dma_wait3A_234 : memref<128x128xf32, #tpu.memory_space<vmem_shared>>)
      tpu.yield
    }) : () -> ()
    %mul3A_13 = arith.constant 640 : i32
    %mul3A_14 = arith.muli %arg1, %mul3A_13 : i32
    %add3A_15 = arith.constant 384 : i32
    %add3A_16 = arith.addi %mul3A_14, %add3A_15 : i32
    "tpu.region"() ({
      %run_scoped3A = tpu.sem_alloc : memref<!tpu.dma_semaphore, #tpu.memory_space<semaphore_mem>>
      %dma_start3A_227 = arith.constant 0 : i32
      %dma_start3A_228 = tpu.memref_slice %arg11[%add3A_16, %dma_start3A_227] : memref<10240x128xf32, #tpu.memory_space<vmem_shared>> -> memref<128x128xf32, #tpu.memory_space<vmem_shared>>
      %dma_start3A_229 = arith.constant 0 : i32
      %dma_start3A_230 = tpu.memref_slice %arg11[%add3A_16, %dma_start3A_229] : memref<10240x128xf32, #tpu.memory_space<vmem_shared>> -> memref<128x128xf32, #tpu.memory_space<vmem_shared>>
      tpu.enqueue_dma source(%arg9 : memref<128x128xf32, #tpu.memory_space<vmem>>) target(%dma_start3A_230 : memref<128x128xf32, #tpu.memory_space<vmem_shared>>) target_semaphore(%run_scoped3A : memref<!tpu.dma_semaphore, #tpu.memory_space<semaphore_mem>>)
      %dma_wait3A_231 = arith.constant 0 : i32
      %dma_wait3A_232 = tpu.memref_slice %arg11[%add3A_16, %dma_wait3A_231] : memref<10240x128xf32, #tpu.memory_space<vmem_shared>> -> memref<128x128xf32, #tpu.memory_space<vmem_shared>>
      %dma_wait3A_233 = arith.constant 0 : i32
      %dma_wait3A_234 = tpu.memref_slice %arg11[%add3A_16, %dma_wait3A_233] : memref<10240x128xf32, #tpu.memory_space<vmem_shared>> -> memref<128x128xf32, #tpu.memory_space<vmem_shared>>
      tpu.wait_dma2 semaphore(%run_scoped3A : memref<!tpu.dma_semaphore, #tpu.memory_space<semaphore_mem>>) src(%arg9 : memref<128x128xf32, #tpu.memory_space<vmem>>) dst(%dma_wait3A_234 : memref<128x128xf32, #tpu.memory_space<vmem_shared>>)
      tpu.yield
    }) : () -> ()
    %mul3A_17 = arith.constant 640 : i32
    %mul3A_18 = arith.muli %arg1, %mul3A_17 : i32
    %add3A_19 = arith.constant 512 : i32
    %add3A_20 = arith.addi %mul3A_18, %add3A_19 : i32
    "tpu.region"() ({
      %run_scoped3A = tpu.sem_alloc : memref<!tpu.dma_semaphore, #tpu.memory_space<semaphore_mem>>
      %dma_start3A_227 = arith.constant 0 : i32
      %dma_start3A_228 = tpu.memref_slice %arg11[%add3A_20, %dma_start3A_227] : memref<10240x128xf32, #tpu.memory_space<vmem_shared>> -> memref<128x128xf32, #tpu.memory_space<vmem_shared>>
      %dma_start3A_229 = arith.constant 0 : i32
      %dma_start3A_230 = tpu.memref_slice %arg11[%add3A_20, %dma_start3A_229] : memref<10240x128xf32, #tpu.memory_space<vmem_shared>> -> memref<128x128xf32, #tpu.memory_space<vmem_shared>>
      tpu.enqueue_dma source(%arg9 : memref<128x128xf32, #tpu.memory_space<vmem>>) target(%dma_start3A_230 : memref<128x128xf32, #tpu.memory_space<vmem_shared>>) target_semaphore(%run_scoped3A : memref<!tpu.dma_semaphore, #tpu.memory_space<semaphore_mem>>)
      %dma_wait3A_231 = arith.constant 0 : i32
      %dma_wait3A_232 = tpu.memref_slice %arg11[%add3A_20, %dma_wait3A_231] : memref<10240x128xf32, #tpu.memory_space<vmem_shared>> -> memref<128x128xf32, #tpu.memory_space<vmem_shared>>
      %dma_wait3A_233 = arith.constant 0 : i32
      %dma_wait3A_234 = tpu.memref_slice %arg11[%add3A_20, %dma_wait3A_233] : memref<10240x128xf32, #tpu.memory_space<vmem_shared>> -> memref<128x128xf32, #tpu.memory_space<vmem_shared>>
      tpu.wait_dma2 semaphore(%run_scoped3A : memref<!tpu.dma_semaphore, #tpu.memory_space<semaphore_mem>>) src(%arg9 : memref<128x128xf32, #tpu.memory_space<vmem>>) dst(%dma_wait3A_234 : memref<128x128xf32, #tpu.memory_space<vmem_shared>>)
      tpu.yield
    }) : () -> ()
    "tpu.region"() ({
      %run_scoped3A = tpu.sem_alloc : memref<!tpu.dma_semaphore, #tpu.memory_space<semaphore_mem>>
      %dma_start3A_227 = arith.constant 0 : i32
      %dma_start3A_228 = arith.constant 0 : i32
      %dma_start3A_229 = tpu.memref_slice %arg3[%add3A, %dma_start3A_227, %dma_start3A_228] : memref<32x40x128xi32, #tpu.memory_space<hbm>> -> memref<1x40x128xi32, #tpu.memory_space<hbm>>
      %dma_start3A_230 = tpu.memref_squeeze %dma_start3A_229 : memref<1x40x128xi32, #tpu.memory_space<hbm>> -> memref<40x128xi32, #tpu.memory_space<hbm>>
      %dma_start3A_231 = arith.constant 0 : i32
      %dma_start3A_232 = arith.constant 0 : i32
      %dma_start3A_233 = tpu.memref_slice %arg3[%add3A, %dma_start3A_231, %dma_start3A_232] : memref<32x40x128xi32, #tpu.memory_space<hbm>> -> memref<1x40x128xi32, #tpu.memory_space<hbm>>
      %dma_start3A_234 = tpu.memref_squeeze %dma_start3A_233 : memref<1x40x128xi32, #tpu.memory_space<hbm>> -> memref<40x128xi32, #tpu.memory_space<hbm>>
      tpu.enqueue_dma source(%dma_start3A_234 : memref<40x128xi32, #tpu.memory_space<hbm>>) target(%arg7 : memref<40x128xi32, #tpu.memory_space<vmem>>) target_semaphore(%run_scoped3A : memref<!tpu.dma_semaphore, #tpu.memory_space<semaphore_mem>>)
      %dma_wait3A_235 = arith.constant 0 : i32
      %dma_wait3A_236 = arith.constant 0 : i32
      %dma_wait3A_237 = tpu.memref_slice %arg3[%add3A, %dma_wait3A_235, %dma_wait3A_236] : memref<32x40x128xi32, #tpu.memory_space<hbm>> -> memref<1x40x128xi32, #tpu.memory_space<hbm>>
      %dma_wait3A_238 = tpu.memref_squeeze %dma_wait3A_237 : memref<1x40x128xi32, #tpu.memory_space<hbm>> -> memref<40x128xi32, #tpu.memory_space<hbm>>
      %dma_wait3A_239 = arith.constant 0 : i32
      %dma_wait3A_240 = arith.constant 0 : i32
      %dma_wait3A_241 = tpu.memref_slice %arg3[%add3A, %dma_wait3A_239, %dma_wait3A_240] : memref<32x40x128xi32, #tpu.memory_space<hbm>> -> memref<1x40x128xi32, #tpu.memory_space<hbm>>
      %dma_wait3A_242 = tpu.memref_squeeze %dma_wait3A_241 : memref<1x40x128xi32, #tpu.memory_space<hbm>> -> memref<40x128xi32, #tpu.memory_space<hbm>>
      tpu.wait_dma2 semaphore(%run_scoped3A : memref<!tpu.dma_semaphore, #tpu.memory_space<semaphore_mem>>) src(%dma_wait3A_242 : memref<40x128xi32, #tpu.memory_space<hbm>>) dst(%arg7 : memref<40x128xi32, #tpu.memory_space<vmem>>)
      tpu.yield
    }) : () -> ()
    "tpu.region"() ({
      %run_scoped3A = tpu.sem_alloc : memref<!tpu.dma_semaphore, #tpu.memory_space<semaphore_mem>>
      %dma_start3A_227 = arith.constant 0 : i32
      %dma_start3A_228 = arith.constant 0 : i32
      %dma_start3A_229 = tpu.memref_slice %arg4[%add3A, %dma_start3A_227, %dma_start3A_228] : memref<32x40x128xi32, #tpu.memory_space<hbm>> -> memref<1x40x128xi32, #tpu.memory_space<hbm>>
      %dma_start3A_230 = tpu.memref_squeeze %dma_start3A_229 : memref<1x40x128xi32, #tpu.memory_space<hbm>> -> memref<40x128xi32, #tpu.memory_space<hbm>>
      %dma_start3A_231 = arith.constant 0 : i32
      %dma_start3A_232 = arith.constant 0 : i32
      %dma_start3A_233 = tpu.memref_slice %arg4[%add3A, %dma_start3A_231, %dma_start3A_232] : memref<32x40x128xi32, #tpu.memory_space<hbm>> -> memref<1x40x128xi32, #tpu.memory_space<hbm>>
      %dma_start3A_234 = tpu.memref_squeeze %dma_start3A_233 : memref<1x40x128xi32, #tpu.memory_space<hbm>> -> memref<40x128xi32, #tpu.memory_space<hbm>>
      tpu.enqueue_dma source(%dma_start3A_234 : memref<40x128xi32, #tpu.memory_space<hbm>>) target(%arg8 : memref<40x128xi32, #tpu.memory_space<vmem>>) target_semaphore(%run_scoped3A : memref<!tpu.dma_semaphore, #tpu.memory_space<semaphore_mem>>)
      %dma_wait3A_235 = arith.constant 0 : i32
      %dma_wait3A_236 = arith.constant 0 : i32
      %dma_wait3A_237 = tpu.memref_slice %arg4[%add3A, %dma_wait3A_235, %dma_wait3A_236] : memref<32x40x128xi32, #tpu.memory_space<hbm>> -> memref<1x40x128xi32, #tpu.memory_space<hbm>>
      %dma_wait3A_238 = tpu.memref_squeeze %dma_wait3A_237 : memref<1x40x128xi32, #tpu.memory_space<hbm>> -> memref<40x128xi32, #tpu.memory_space<hbm>>
      %dma_wait3A_239 = arith.constant 0 : i32
      %dma_wait3A_240 = arith.constant 0 : i32
      %dma_wait3A_241 = tpu.memref_slice %arg4[%add3A, %dma_wait3A_239, %dma_wait3A_240] : memref<32x40x128xi32, #tpu.memory_space<hbm>> -> memref<1x40x128xi32, #tpu.memory_space<hbm>>
      %dma_wait3A_242 = tpu.memref_squeeze %dma_wait3A_241 : memref<1x40x128xi32, #tpu.memory_space<hbm>> -> memref<40x128xi32, #tpu.memory_space<hbm>>
      tpu.wait_dma2 semaphore(%run_scoped3A : memref<!tpu.dma_semaphore, #tpu.memory_space<semaphore_mem>>) src(%dma_wait3A_242 : memref<40x128xi32, #tpu.memory_space<hbm>>) dst(%arg8 : memref<40x128xi32, #tpu.memory_space<vmem>>)
      tpu.yield
    }) : () -> ()
    %barrier3A = arith.constant 0 : index
    tpu.barrier barrier_id(%barrier3A)
    %dma_start3A = arith.constant 0 : i32
    %dma_start3A_21 = arith.constant 0 : i32
    %dma_start3A_22 = tpu.memref_slice %arg7[%dma_start3A, %dma_start3A_21] : memref<40x128xi32, #tpu.memory_space<vmem>> -> memref<1x128xi32, #tpu.memory_space<vmem>>
    %dma_start3A_23 = tpu.memref_squeeze %dma_start3A_22 : memref<1x128xi32, #tpu.memory_space<vmem>> -> memref<128xi32, #tpu.memory_space<vmem>>
    %dma_start3A_24 = arith.constant 0 : i32
    %dma_start3A_25 = arith.constant 0 : i32
    %dma_start3A_26 = tpu.memref_slice %arg2[%dma_start3A_24, %dma_start3A_25] : memref<10240x128xf32, #tpu.memory_space<hbm>> -> memref<10240x128xf32, #tpu.memory_space<hbm>>
    tpu.enqueue_indirect_dma source(%dma_start3A_26 : memref<10240x128xf32, #tpu.memory_space<hbm>>) target(%arg9 : memref<128x128xf32, #tpu.memory_space<vmem>>) offsets(%dma_start3A_23 : memref<128xi32, #tpu.memory_space<vmem>>) semaphore(%arg12 : memref<!tpu.dma_semaphore, #tpu.memory_space<semaphore_mem>>)
    %dma_wait3A = arith.constant 0 : i32
    %dma_wait3A_27 = arith.constant 0 : i32
    %dma_wait3A_28 = tpu.memref_slice %arg7[%dma_wait3A, %dma_wait3A_27] : memref<40x128xi32, #tpu.memory_space<vmem>> -> memref<1x128xi32, #tpu.memory_space<vmem>>
    %dma_wait3A_29 = tpu.memref_squeeze %dma_wait3A_28 : memref<1x128xi32, #tpu.memory_space<vmem>> -> memref<128xi32, #tpu.memory_space<vmem>>
    %dma_wait3A_30 = arith.constant 0 : i32
    %dma_wait3A_31 = arith.constant 0 : i32
    %dma_wait3A_32 = tpu.memref_slice %arg2[%dma_wait3A_30, %dma_wait3A_31] : memref<10240x128xf32, #tpu.memory_space<hbm>> -> memref<10240x128xf32, #tpu.memory_space<hbm>>
    tpu.wait_indirect_dma semaphore(%arg12 : memref<!tpu.dma_semaphore, #tpu.memory_space<semaphore_mem>>) src(%dma_wait3A_32 : memref<10240x128xf32, #tpu.memory_space<hbm>>) dst(%arg9 : memref<128x128xf32, #tpu.memory_space<vmem>>)
    %dma_start3A_33 = arith.constant 0 : i32
    %dma_start3A_34 = arith.constant 0 : i32
    %dma_start3A_35 = tpu.memref_slice %arg8[%dma_start3A_33, %dma_start3A_34] : memref<40x128xi32, #tpu.memory_space<vmem>> -> memref<1x128xi32, #tpu.memory_space<vmem>>
    %dma_start3A_36 = tpu.memref_squeeze %dma_start3A_35 : memref<1x128xi32, #tpu.memory_space<vmem>> -> memref<128xi32, #tpu.memory_space<vmem>>
    %dma_start3A_37 = arith.constant 0 : i32
    %dma_start3A_38 = arith.constant 0 : i32
    %dma_start3A_39 = tpu.memref_slice %arg11[%dma_start3A_37, %dma_start3A_38] : memref<10240x128xf32, #tpu.memory_space<vmem_shared>> -> memref<10240x128xf32, #tpu.memory_space<vmem_shared>>
    tpu.enqueue_indirect_dma source(%arg9 : memref<128x128xf32, #tpu.memory_space<vmem>>) target(%dma_start3A_39 : memref<10240x128xf32, #tpu.memory_space<vmem_shared>>) offsets(%dma_start3A_36 : memref<128xi32, #tpu.memory_space<vmem>>) semaphore(%arg14 : memref<!tpu.dma_semaphore, #tpu.memory_space<semaphore_mem>>) {add = true}
    %dma_start3A_40 = arith.constant 1 : i32
    %dma_start3A_41 = arith.constant 0 : i32
    %dma_start3A_42 = tpu.memref_slice %arg7[%dma_start3A_40, %dma_start3A_41] : memref<40x128xi32, #tpu.memory_space<vmem>> -> memref<1x128xi32, #tpu.memory_space<vmem>>
    %dma_start3A_43 = tpu.memref_squeeze %dma_start3A_42 : memref<1x128xi32, #tpu.memory_space<vmem>> -> memref<128xi32, #tpu.memory_space<vmem>>
    %dma_start3A_44 = arith.constant 0 : i32
    %dma_start3A_45 = arith.constant 0 : i32
    %dma_start3A_46 = tpu.memref_slice %arg2[%dma_start3A_44, %dma_start3A_45] : memref<10240x128xf32, #tpu.memory_space<hbm>> -> memref<10240x128xf32, #tpu.memory_space<hbm>>
    tpu.enqueue_indirect_dma source(%dma_start3A_46 : memref<10240x128xf32, #tpu.memory_space<hbm>>) target(%arg10 : memref<128x128xf32, #tpu.memory_space<vmem>>) offsets(%dma_start3A_43 : memref<128xi32, #tpu.memory_space<vmem>>) semaphore(%arg13 : memref<!tpu.dma_semaphore, #tpu.memory_space<semaphore_mem>>)
    %dma_wait3A_47 = arith.constant 1 : i32
    %dma_wait3A_48 = arith.constant 0 : i32
    %dma_wait3A_49 = tpu.memref_slice %arg7[%dma_wait3A_47, %dma_wait3A_48] : memref<40x128xi32, #tpu.memory_space<vmem>> -> memref<1x128xi32, #tpu.memory_space<vmem>>
    %dma_wait3A_50 = tpu.memref_squeeze %dma_wait3A_49 : memref<1x128xi32, #tpu.memory_space<vmem>> -> memref<128xi32, #tpu.memory_space<vmem>>
    %dma_wait3A_51 = arith.constant 0 : i32
    %dma_wait3A_52 = arith.constant 0 : i32
    %dma_wait3A_53 = tpu.memref_slice %arg2[%dma_wait3A_51, %dma_wait3A_52] : memref<10240x128xf32, #tpu.memory_space<hbm>> -> memref<10240x128xf32, #tpu.memory_space<hbm>>
    tpu.wait_indirect_dma semaphore(%arg13 : memref<!tpu.dma_semaphore, #tpu.memory_space<semaphore_mem>>) src(%dma_wait3A_53 : memref<10240x128xf32, #tpu.memory_space<hbm>>) dst(%arg10 : memref<128x128xf32, #tpu.memory_space<vmem>>)
    %dma_start3A_54 = arith.constant 1 : i32
    %dma_start3A_55 = arith.constant 0 : i32
    %dma_start3A_56 = tpu.memref_slice %arg8[%dma_start3A_54, %dma_start3A_55] : memref<40x128xi32, #tpu.memory_space<vmem>> -> memref<1x128xi32, #tpu.memory_space<vmem>>
    %dma_start3A_57 = tpu.memref_squeeze %dma_start3A_56 : memref<1x128xi32, #tpu.memory_space<vmem>> -> memref<128xi32, #tpu.memory_space<vmem>>
    %dma_start3A_58 = arith.constant 0 : i32
    %dma_start3A_59 = arith.constant 0 : i32
    %dma_start3A_60 = tpu.memref_slice %arg11[%dma_start3A_58, %dma_start3A_59] : memref<10240x128xf32, #tpu.memory_space<vmem_shared>> -> memref<10240x128xf32, #tpu.memory_space<vmem_shared>>
    tpu.enqueue_indirect_dma source(%arg10 : memref<128x128xf32, #tpu.memory_space<vmem>>) target(%dma_start3A_60 : memref<10240x128xf32, #tpu.memory_space<vmem_shared>>) offsets(%dma_start3A_57 : memref<128xi32, #tpu.memory_space<vmem>>) semaphore(%arg15 : memref<!tpu.dma_semaphore, #tpu.memory_space<semaphore_mem>>) {add = true}
    %dma_wait3A_61 = arith.constant 0 : i32
    %dma_wait3A_62 = arith.constant 0 : i32
    %dma_wait3A_63 = tpu.memref_slice %arg8[%dma_wait3A_61, %dma_wait3A_62] : memref<40x128xi32, #tpu.memory_space<vmem>> -> memref<1x128xi32, #tpu.memory_space<vmem>>
    %dma_wait3A_64 = tpu.memref_squeeze %dma_wait3A_63 : memref<1x128xi32, #tpu.memory_space<vmem>> -> memref<128xi32, #tpu.memory_space<vmem>>
    %dma_wait3A_65 = arith.constant 0 : i32
    %dma_wait3A_66 = arith.constant 0 : i32
    %dma_wait3A_67 = tpu.memref_slice %arg11[%dma_wait3A_65, %dma_wait3A_66] : memref<10240x128xf32, #tpu.memory_space<vmem_shared>> -> memref<10240x128xf32, #tpu.memory_space<vmem_shared>>
    tpu.wait_indirect_dma semaphore(%arg14 : memref<!tpu.dma_semaphore, #tpu.memory_space<semaphore_mem>>) src(%arg9 : memref<128x128xf32, #tpu.memory_space<vmem>>) dst(%dma_wait3A_67 : memref<10240x128xf32, #tpu.memory_space<vmem_shared>>)
    %dma_start3A_68 = arith.constant 2 : i32
    %dma_start3A_69 = arith.constant 0 : i32
    %dma_start3A_70 = tpu.memref_slice %arg7[%dma_start3A_68, %dma_start3A_69] : memref<40x128xi32, #tpu.memory_space<vmem>> -> memref<1x128xi32, #tpu.memory_space<vmem>>
    %dma_start3A_71 = tpu.memref_squeeze %dma_start3A_70 : memref<1x128xi32, #tpu.memory_space<vmem>> -> memref<128xi32, #tpu.memory_space<vmem>>
    %dma_start3A_72 = arith.constant 0 : i32
    %dma_start3A_73 = arith.constant 0 : i32
    %dma_start3A_74 = tpu.memref_slice %arg2[%dma_start3A_72, %dma_start3A_73] : memref<10240x128xf32, #tpu.memory_space<hbm>> -> memref<10240x128xf32, #tpu.memory_space<hbm>>
    tpu.enqueue_indirect_dma source(%dma_start3A_74 : memref<10240x128xf32, #tpu.memory_space<hbm>>) target(%arg9 : memref<128x128xf32, #tpu.memory_space<vmem>>) offsets(%dma_start3A_71 : memref<128xi32, #tpu.memory_space<vmem>>) semaphore(%arg12 : memref<!tpu.dma_semaphore, #tpu.memory_space<semaphore_mem>>)
    %scan3A = arith.constant 0 : i32
    %scan3A_75 = arith.constant 1 : i32
    %scan3A_76 = arith.constant 18 : i32
    %scan3A_77 = arith.addi %scan3A_75, %scan3A_76 : i32
    %scan3A_78 = arith.constant 1 : i32
    scf.for %scan3A_227 = %scan3A_75 to %scan3A_77 step %scan3A_78  : i32 {
      %mul3A_228 = arith.constant 2 : i32
      %mul3A_229 = arith.muli %mul3A_228, %scan3A_227 : i32
      %add3A_230 = arith.constant 0 : i32
      %add3A_231 = arith.addi %mul3A_229, %add3A_230 : i32
      %dma_wait3A_232 = arith.constant 0 : i32
      %dma_wait3A_233 = tpu.memref_slice %arg7[%add3A_231, %dma_wait3A_232] : memref<40x128xi32, #tpu.memory_space<vmem>> -> memref<1x128xi32, #tpu.memory_space<vmem>>
      %dma_wait3A_234 = tpu.memref_squeeze %dma_wait3A_233 : memref<1x128xi32, #tpu.memory_space<vmem>> -> memref<128xi32, #tpu.memory_space<vmem>>
      %dma_wait3A_235 = arith.constant 0 : i32
      %dma_wait3A_236 = arith.constant 0 : i32
      %dma_wait3A_237 = tpu.memref_slice %arg2[%dma_wait3A_235, %dma_wait3A_236] : memref<10240x128xf32, #tpu.memory_space<hbm>> -> memref<10240x128xf32, #tpu.memory_space<hbm>>
      tpu.wait_indirect_dma semaphore(%arg12 : memref<!tpu.dma_semaphore, #tpu.memory_space<semaphore_mem>>) src(%dma_wait3A_237 : memref<10240x128xf32, #tpu.memory_space<hbm>>) dst(%arg9 : memref<128x128xf32, #tpu.memory_space<vmem>>)
      %dma_start3A_238 = arith.constant 0 : i32
      %dma_start3A_239 = tpu.memref_slice %arg8[%add3A_231, %dma_start3A_238] : memref<40x128xi32, #tpu.memory_space<vmem>> -> memref<1x128xi32, #tpu.memory_space<vmem>>
      %dma_start3A_240 = tpu.memref_squeeze %dma_start3A_239 : memref<1x128xi32, #tpu.memory_space<vmem>> -> memref<128xi32, #tpu.memory_space<vmem>>
      %dma_start3A_241 = arith.constant 0 : i32
      %dma_start3A_242 = arith.constant 0 : i32
      %dma_start3A_243 = tpu.memref_slice %arg11[%dma_start3A_241, %dma_start3A_242] : memref<10240x128xf32, #tpu.memory_space<vmem_shared>> -> memref<10240x128xf32, #tpu.memory_space<vmem_shared>>
      tpu.enqueue_indirect_dma source(%arg9 : memref<128x128xf32, #tpu.memory_space<vmem>>) target(%dma_start3A_243 : memref<10240x128xf32, #tpu.memory_space<vmem_shared>>) offsets(%dma_start3A_240 : memref<128xi32, #tpu.memory_space<vmem>>) semaphore(%arg14 : memref<!tpu.dma_semaphore, #tpu.memory_space<semaphore_mem>>) {add = true}
      %add3A_244 = arith.constant 1 : i32
      %add3A_245 = arith.addi %add3A_231, %add3A_244 : i32
      %sub3A = arith.constant 2 : i32
      %sub3A_246 = arith.subi %add3A_245, %sub3A : i32
      %dma_wait3A_247 = arith.constant 0 : i32
      %dma_wait3A_248 = tpu.memref_slice %arg8[%sub3A_246, %dma_wait3A_247] : memref<40x128xi32, #tpu.memory_space<vmem>> -> memref<1x128xi32, #tpu.memory_space<vmem>>
      %dma_wait3A_249 = tpu.memref_squeeze %dma_wait3A_248 : memref<1x128xi32, #tpu.memory_space<vmem>> -> memref<128xi32, #tpu.memory_space<vmem>>
      %dma_wait3A_250 = arith.constant 0 : i32
      %dma_wait3A_251 = arith.constant 0 : i32
      %dma_wait3A_252 = tpu.memref_slice %arg11[%dma_wait3A_250, %dma_wait3A_251] : memref<10240x128xf32, #tpu.memory_space<vmem_shared>> -> memref<10240x128xf32, #tpu.memory_space<vmem_shared>>
      tpu.wait_indirect_dma semaphore(%arg15 : memref<!tpu.dma_semaphore, #tpu.memory_space<semaphore_mem>>) src(%arg10 : memref<128x128xf32, #tpu.memory_space<vmem>>) dst(%dma_wait3A_252 : memref<10240x128xf32, #tpu.memory_space<vmem_shared>>)
      %add3A_253 = arith.constant 1 : i32
      %add3A_254 = arith.addi %add3A_231, %add3A_253 : i32
      %dma_start3A_255 = arith.constant 0 : i32
      %dma_start3A_256 = tpu.memref_slice %arg7[%add3A_254, %dma_start3A_255] : memref<40x128xi32, #tpu.memory_space<vmem>> -> memref<1x128xi32, #tpu.memory_space<vmem>>
      %dma_start3A_257 = tpu.memref_squeeze %dma_start3A_256 : memref<1x128xi32, #tpu.memory_space<vmem>> -> memref<128xi32, #tpu.memory_space<vmem>>
      %dma_start3A_258 = arith.constant 0 : i32
      %dma_start3A_259 = arith.constant 0 : i32
      %dma_start3A_260 = tpu.memref_slice %arg2[%dma_start3A_258, %dma_start3A_259] : memref<10240x128xf32, #tpu.memory_space<hbm>> -> memref<10240x128xf32, #tpu.memory_space<hbm>>
      tpu.enqueue_indirect_dma source(%dma_start3A_260 : memref<10240x128xf32, #tpu.memory_space<hbm>>) target(%arg10 : memref<128x128xf32, #tpu.memory_space<vmem>>) offsets(%dma_start3A_257 : memref<128xi32, #tpu.memory_space<vmem>>) semaphore(%arg13 : memref<!tpu.dma_semaphore, #tpu.memory_space<semaphore_mem>>)
      %mul3A_261 = arith.constant 2 : i32
      %mul3A_262 = arith.muli %mul3A_261, %scan3A_227 : i32
      %add3A_263 = arith.constant 1 : i32
      %add3A_264 = arith.addi %mul3A_262, %add3A_263 : i32
      %dma_wait3A_265 = arith.constant 0 : i32
      %dma_wait3A_266 = tpu.memref_slice %arg7[%add3A_264, %dma_wait3A_265] : memref<40x128xi32, #tpu.memory_space<vmem>> -> memref<1x128xi32, #tpu.memory_space<vmem>>
      %dma_wait3A_267 = tpu.memref_squeeze %dma_wait3A_266 : memref<1x128xi32, #tpu.memory_space<vmem>> -> memref<128xi32, #tpu.memory_space<vmem>>
      %dma_wait3A_268 = arith.constant 0 : i32
      %dma_wait3A_269 = arith.constant 0 : i32
      %dma_wait3A_270 = tpu.memref_slice %arg2[%dma_wait3A_268, %dma_wait3A_269] : memref<10240x128xf32, #tpu.memory_space<hbm>> -> memref<10240x128xf32, #tpu.memory_space<hbm>>
      tpu.wait_indirect_dma semaphore(%arg13 : memref<!tpu.dma_semaphore, #tpu.memory_space<semaphore_mem>>) src(%dma_wait3A_270 : memref<10240x128xf32, #tpu.memory_space<hbm>>) dst(%arg10 : memref<128x128xf32, #tpu.memory_space<vmem>>)
      %dma_start3A_271 = arith.constant 0 : i32
      %dma_start3A_272 = tpu.memref_slice %arg8[%add3A_264, %dma_start3A_271] : memref<40x128xi32, #tpu.memory_space<vmem>> -> memref<1x128xi32, #tpu.memory_space<vmem>>
      %dma_start3A_273 = tpu.memref_squeeze %dma_start3A_272 : memref<1x128xi32, #tpu.memory_space<vmem>> -> memref<128xi32, #tpu.memory_space<vmem>>
      %dma_start3A_274 = arith.constant 0 : i32
      %dma_start3A_275 = arith.constant 0 : i32
      %dma_start3A_276 = tpu.memref_slice %arg11[%dma_start3A_274, %dma_start3A_275] : memref<10240x128xf32, #tpu.memory_space<vmem_shared>> -> memref<10240x128xf32, #tpu.memory_space<vmem_shared>>
      tpu.enqueue_indirect_dma source(%arg10 : memref<128x128xf32, #tpu.memory_space<vmem>>) target(%dma_start3A_276 : memref<10240x128xf32, #tpu.memory_space<vmem_shared>>) offsets(%dma_start3A_273 : memref<128xi32, #tpu.memory_space<vmem>>) semaphore(%arg15 : memref<!tpu.dma_semaphore, #tpu.memory_space<semaphore_mem>>) {add = true}
      %add3A_277 = arith.constant 1 : i32
      %add3A_278 = arith.addi %add3A_264, %add3A_277 : i32
      %sub3A_279 = arith.constant 2 : i32
      %sub3A_280 = arith.subi %add3A_278, %sub3A_279 : i32
      %dma_wait3A_281 = arith.constant 0 : i32
      %dma_wait3A_282 = tpu.memref_slice %arg8[%sub3A_280, %dma_wait3A_281] : memref<40x128xi32, #tpu.memory_space<vmem>> -> memref<1x128xi32, #tpu.memory_space<vmem>>
      %dma_wait3A_283 = tpu.memref_squeeze %dma_wait3A_282 : memref<1x128xi32, #tpu.memory_space<vmem>> -> memref<128xi32, #tpu.memory_space<vmem>>
      %dma_wait3A_284 = arith.constant 0 : i32
      %dma_wait3A_285 = arith.constant 0 : i32
      %dma_wait3A_286 = tpu.memref_slice %arg11[%dma_wait3A_284, %dma_wait3A_285] : memref<10240x128xf32, #tpu.memory_space<vmem_shared>> -> memref<10240x128xf32, #tpu.memory_space<vmem_shared>>
      tpu.wait_indirect_dma semaphore(%arg14 : memref<!tpu.dma_semaphore, #tpu.memory_space<semaphore_mem>>) src(%arg9 : memref<128x128xf32, #tpu.memory_space<vmem>>) dst(%dma_wait3A_286 : memref<10240x128xf32, #tpu.memory_space<vmem_shared>>)
      %add3A_287 = arith.constant 1 : i32
      %add3A_288 = arith.addi %add3A_264, %add3A_287 : i32
      %dma_start3A_289 = arith.constant 0 : i32
      %dma_start3A_290 = tpu.memref_slice %arg7[%add3A_288, %dma_start3A_289] : memref<40x128xi32, #tpu.memory_space<vmem>> -> memref<1x128xi32, #tpu.memory_space<vmem>>
      %dma_start3A_291 = tpu.memref_squeeze %dma_start3A_290 : memref<1x128xi32, #tpu.memory_space<vmem>> -> memref<128xi32, #tpu.memory_space<vmem>>
      %dma_start3A_292 = arith.constant 0 : i32
      %dma_start3A_293 = arith.constant 0 : i32
      %dma_start3A_294 = tpu.memref_slice %arg2[%dma_start3A_292, %dma_start3A_293] : memref<10240x128xf32, #tpu.memory_space<hbm>> -> memref<10240x128xf32, #tpu.memory_space<hbm>>
      tpu.enqueue_indirect_dma source(%dma_start3A_294 : memref<10240x128xf32, #tpu.memory_space<hbm>>) target(%arg9 : memref<128x128xf32, #tpu.memory_space<vmem>>) offsets(%dma_start3A_291 : memref<128xi32, #tpu.memory_space<vmem>>) semaphore(%arg12 : memref<!tpu.dma_semaphore, #tpu.memory_space<semaphore_mem>>)
    }
    %scan3A_79 = arith.constant 18 : i32
    %dma_wait3A_80 = arith.constant 38 : i32
    %dma_wait3A_81 = arith.constant 0 : i32
    %dma_wait3A_82 = tpu.memref_slice %arg7[%dma_wait3A_80, %dma_wait3A_81] : memref<40x128xi32, #tpu.memory_space<vmem>> -> memref<1x128xi32, #tpu.memory_space<vmem>>
    %dma_wait3A_83 = tpu.memref_squeeze %dma_wait3A_82 : memref<1x128xi32, #tpu.memory_space<vmem>> -> memref<128xi32, #tpu.memory_space<vmem>>
    %dma_wait3A_84 = arith.constant 0 : i32
    %dma_wait3A_85 = arith.constant 0 : i32
    %dma_wait3A_86 = tpu.memref_slice %arg2[%dma_wait3A_84, %dma_wait3A_85] : memref<10240x128xf32, #tpu.memory_space<hbm>> -> memref<10240x128xf32, #tpu.memory_space<hbm>>
    tpu.wait_indirect_dma semaphore(%arg12 : memref<!tpu.dma_semaphore, #tpu.memory_space<semaphore_mem>>) src(%dma_wait3A_86 : memref<10240x128xf32, #tpu.memory_space<hbm>>) dst(%arg9 : memref<128x128xf32, #tpu.memory_space<vmem>>)
    %dma_start3A_87 = arith.constant 38 : i32
    %dma_start3A_88 = arith.constant 0 : i32
    %dma_start3A_89 = tpu.memref_slice %arg8[%dma_start3A_87, %dma_start3A_88] : memref<40x128xi32, #tpu.memory_space<vmem>> -> memref<1x128xi32, #tpu.memory_space<vmem>>
    %dma_start3A_90 = tpu.memref_squeeze %dma_start3A_89 : memref<1x128xi32, #tpu.memory_space<vmem>> -> memref<128xi32, #tpu.memory_space<vmem>>
    %dma_start3A_91 = arith.constant 0 : i32
    %dma_start3A_92 = arith.constant 0 : i32
    %dma_start3A_93 = tpu.memref_slice %arg11[%dma_start3A_91, %dma_start3A_92] : memref<10240x128xf32, #tpu.memory_space<vmem_shared>> -> memref<10240x128xf32, #tpu.memory_space<vmem_shared>>
    tpu.enqueue_indirect_dma source(%arg9 : memref<128x128xf32, #tpu.memory_space<vmem>>) target(%dma_start3A_93 : memref<10240x128xf32, #tpu.memory_space<vmem_shared>>) offsets(%dma_start3A_90 : memref<128xi32, #tpu.memory_space<vmem>>) semaphore(%arg14 : memref<!tpu.dma_semaphore, #tpu.memory_space<semaphore_mem>>) {add = true}
    %dma_wait3A_94 = arith.constant 37 : i32
    %dma_wait3A_95 = arith.constant 0 : i32
    %dma_wait3A_96 = tpu.memref_slice %arg8[%dma_wait3A_94, %dma_wait3A_95] : memref<40x128xi32, #tpu.memory_space<vmem>> -> memref<1x128xi32, #tpu.memory_space<vmem>>
    %dma_wait3A_97 = tpu.memref_squeeze %dma_wait3A_96 : memref<1x128xi32, #tpu.memory_space<vmem>> -> memref<128xi32, #tpu.memory_space<vmem>>
    %dma_wait3A_98 = arith.constant 0 : i32
    %dma_wait3A_99 = arith.constant 0 : i32
    %dma_wait3A_100 = tpu.memref_slice %arg11[%dma_wait3A_98, %dma_wait3A_99] : memref<10240x128xf32, #tpu.memory_space<vmem_shared>> -> memref<10240x128xf32, #tpu.memory_space<vmem_shared>>
    tpu.wait_indirect_dma semaphore(%arg15 : memref<!tpu.dma_semaphore, #tpu.memory_space<semaphore_mem>>) src(%arg10 : memref<128x128xf32, #tpu.memory_space<vmem>>) dst(%dma_wait3A_100 : memref<10240x128xf32, #tpu.memory_space<vmem_shared>>)
    %dma_start3A_101 = arith.constant 39 : i32
    %dma_start3A_102 = arith.constant 0 : i32
    %dma_start3A_103 = tpu.memref_slice %arg7[%dma_start3A_101, %dma_start3A_102] : memref<40x128xi32, #tpu.memory_space<vmem>> -> memref<1x128xi32, #tpu.memory_space<vmem>>
    %dma_start3A_104 = tpu.memref_squeeze %dma_start3A_103 : memref<1x128xi32, #tpu.memory_space<vmem>> -> memref<128xi32, #tpu.memory_space<vmem>>
    %dma_start3A_105 = arith.constant 0 : i32
    %dma_start3A_106 = arith.constant 0 : i32
    %dma_start3A_107 = tpu.memref_slice %arg2[%dma_start3A_105, %dma_start3A_106] : memref<10240x128xf32, #tpu.memory_space<hbm>> -> memref<10240x128xf32, #tpu.memory_space<hbm>>
    tpu.enqueue_indirect_dma source(%dma_start3A_107 : memref<10240x128xf32, #tpu.memory_space<hbm>>) target(%arg10 : memref<128x128xf32, #tpu.memory_space<vmem>>) offsets(%dma_start3A_104 : memref<128xi32, #tpu.memory_space<vmem>>) semaphore(%arg13 : memref<!tpu.dma_semaphore, #tpu.memory_space<semaphore_mem>>)
    %dma_wait3A_108 = arith.constant 39 : i32
    %dma_wait3A_109 = arith.constant 0 : i32
    %dma_wait3A_110 = tpu.memref_slice %arg7[%dma_wait3A_108, %dma_wait3A_109] : memref<40x128xi32, #tpu.memory_space<vmem>> -> memref<1x128xi32, #tpu.memory_space<vmem>>
    %dma_wait3A_111 = tpu.memref_squeeze %dma_wait3A_110 : memref<1x128xi32, #tpu.memory_space<vmem>> -> memref<128xi32, #tpu.memory_space<vmem>>
    %dma_wait3A_112 = arith.constant 0 : i32
    %dma_wait3A_113 = arith.constant 0 : i32
    %dma_wait3A_114 = tpu.memref_slice %arg2[%dma_wait3A_112, %dma_wait3A_113] : memref<10240x128xf32, #tpu.memory_space<hbm>> -> memref<10240x128xf32, #tpu.memory_space<hbm>>
    tpu.wait_indirect_dma semaphore(%arg13 : memref<!tpu.dma_semaphore, #tpu.memory_space<semaphore_mem>>) src(%dma_wait3A_114 : memref<10240x128xf32, #tpu.memory_space<hbm>>) dst(%arg10 : memref<128x128xf32, #tpu.memory_space<vmem>>)
    %dma_start3A_115 = arith.constant 39 : i32
    %dma_start3A_116 = arith.constant 0 : i32
    %dma_start3A_117 = tpu.memref_slice %arg8[%dma_start3A_115, %dma_start3A_116] : memref<40x128xi32, #tpu.memory_space<vmem>> -> memref<1x128xi32, #tpu.memory_space<vmem>>
    %dma_start3A_118 = tpu.memref_squeeze %dma_start3A_117 : memref<1x128xi32, #tpu.memory_space<vmem>> -> memref<128xi32, #tpu.memory_space<vmem>>
    %dma_start3A_119 = arith.constant 0 : i32
    %dma_start3A_120 = arith.constant 0 : i32
    %dma_start3A_121 = tpu.memref_slice %arg11[%dma_start3A_119, %dma_start3A_120] : memref<10240x128xf32, #tpu.memory_space<vmem_shared>> -> memref<10240x128xf32, #tpu.memory_space<vmem_shared>>
    tpu.enqueue_indirect_dma source(%arg10 : memref<128x128xf32, #tpu.memory_space<vmem>>) target(%dma_start3A_121 : memref<10240x128xf32, #tpu.memory_space<vmem_shared>>) offsets(%dma_start3A_118 : memref<128xi32, #tpu.memory_space<vmem>>) semaphore(%arg15 : memref<!tpu.dma_semaphore, #tpu.memory_space<semaphore_mem>>) {add = true}
    %dma_wait3A_122 = arith.constant 38 : i32
    %dma_wait3A_123 = arith.constant 0 : i32
    %dma_wait3A_124 = tpu.memref_slice %arg8[%dma_wait3A_122, %dma_wait3A_123] : memref<40x128xi32, #tpu.memory_space<vmem>> -> memref<1x128xi32, #tpu.memory_space<vmem>>
    %dma_wait3A_125 = tpu.memref_squeeze %dma_wait3A_124 : memref<1x128xi32, #tpu.memory_space<vmem>> -> memref<128xi32, #tpu.memory_space<vmem>>
    %dma_wait3A_126 = arith.constant 0 : i32
    %dma_wait3A_127 = arith.constant 0 : i32
    %dma_wait3A_128 = tpu.memref_slice %arg11[%dma_wait3A_126, %dma_wait3A_127] : memref<10240x128xf32, #tpu.memory_space<vmem_shared>> -> memref<10240x128xf32, #tpu.memory_space<vmem_shared>>
    tpu.wait_indirect_dma semaphore(%arg14 : memref<!tpu.dma_semaphore, #tpu.memory_space<semaphore_mem>>) src(%arg9 : memref<128x128xf32, #tpu.memory_space<vmem>>) dst(%dma_wait3A_128 : memref<10240x128xf32, #tpu.memory_space<vmem_shared>>)
    %dma_wait3A_129 = arith.constant 39 : i32
    %dma_wait3A_130 = arith.constant 0 : i32
    %dma_wait3A_131 = tpu.memref_slice %arg8[%dma_wait3A_129, %dma_wait3A_130] : memref<40x128xi32, #tpu.memory_space<vmem>> -> memref<1x128xi32, #tpu.memory_space<vmem>>
    %dma_wait3A_132 = tpu.memref_squeeze %dma_wait3A_131 : memref<1x128xi32, #tpu.memory_space<vmem>> -> memref<128xi32, #tpu.memory_space<vmem>>
    %dma_wait3A_133 = arith.constant 0 : i32
    %dma_wait3A_134 = arith.constant 0 : i32
    %dma_wait3A_135 = tpu.memref_slice %arg11[%dma_wait3A_133, %dma_wait3A_134] : memref<10240x128xf32, #tpu.memory_space<vmem_shared>> -> memref<10240x128xf32, #tpu.memory_space<vmem_shared>>
    tpu.wait_indirect_dma semaphore(%arg15 : memref<!tpu.dma_semaphore, #tpu.memory_space<semaphore_mem>>) src(%arg10 : memref<128x128xf32, #tpu.memory_space<vmem>>) dst(%dma_wait3A_135 : memref<10240x128xf32, #tpu.memory_space<vmem_shared>>)
    %barrier3A_136 = arith.constant 0 : index
    tpu.barrier barrier_id(%barrier3A_136)
    %mul3A_137 = arith.constant 640 : i32
    %mul3A_138 = arith.muli %arg1, %mul3A_137 : i32
    %add3A_139 = arith.constant 0 : i32
    %add3A_140 = arith.addi %mul3A_138, %add3A_139 : i32
    %dma_start3A_141 = arith.constant 0 : i32
    %dma_start3A_142 = tpu.memref_slice %arg6[%arg0, %add3A_140, %dma_start3A_141] : memref<2x10240x128xf32, #tpu.memory_space<hbm>> -> memref<1x128x128xf32, #tpu.memory_space<hbm>>
    %dma_start3A_143 = tpu.memref_squeeze %dma_start3A_142 : memref<1x128x128xf32, #tpu.memory_space<hbm>> -> memref<128x128xf32, #tpu.memory_space<hbm>>
    %dma_start3A_144 = arith.constant 0 : i32
    %dma_start3A_145 = tpu.memref_slice %arg11[%add3A_140, %dma_start3A_144] : memref<10240x128xf32, #tpu.memory_space<vmem_shared>> -> memref<128x128xf32, #tpu.memory_space<vmem_shared>>
    tpu.enqueue_dma source(%dma_start3A_145 : memref<128x128xf32, #tpu.memory_space<vmem_shared>>) target(%dma_start3A_143 : memref<128x128xf32, #tpu.memory_space<hbm>>) target_semaphore(%arg12 : memref<!tpu.dma_semaphore, #tpu.memory_space<semaphore_mem>>)
    %mul3A_146 = arith.constant 640 : i32
    %mul3A_147 = arith.muli %arg1, %mul3A_146 : i32
    %add3A_148 = arith.constant 128 : i32
    %add3A_149 = arith.addi %mul3A_147, %add3A_148 : i32
    %dma_start3A_150 = arith.constant 0 : i32
    %dma_start3A_151 = tpu.memref_slice %arg6[%arg0, %add3A_149, %dma_start3A_150] : memref<2x10240x128xf32, #tpu.memory_space<hbm>> -> memref<1x128x128xf32, #tpu.memory_space<hbm>>
    %dma_start3A_152 = tpu.memref_squeeze %dma_start3A_151 : memref<1x128x128xf32, #tpu.memory_space<hbm>> -> memref<128x128xf32, #tpu.memory_space<hbm>>
    %dma_start3A_153 = arith.constant 0 : i32
    %dma_start3A_154 = tpu.memref_slice %arg11[%add3A_149, %dma_start3A_153] : memref<10240x128xf32, #tpu.memory_space<vmem_shared>> -> memref<128x128xf32, #tpu.memory_space<vmem_shared>>
    tpu.enqueue_dma source(%dma_start3A_154 : memref<128x128xf32, #tpu.memory_space<vmem_shared>>) target(%dma_start3A_152 : memref<128x128xf32, #tpu.memory_space<hbm>>) target_semaphore(%arg13 : memref<!tpu.dma_semaphore, #tpu.memory_space<semaphore_mem>>)
    %mul3A_155 = arith.constant 640 : i32
    %mul3A_156 = arith.muli %arg1, %mul3A_155 : i32
    %add3A_157 = arith.constant 256 : i32
    %add3A_158 = arith.addi %mul3A_156, %add3A_157 : i32
    %dma_start3A_159 = arith.constant 0 : i32
    %dma_start3A_160 = tpu.memref_slice %arg6[%arg0, %add3A_158, %dma_start3A_159] : memref<2x10240x128xf32, #tpu.memory_space<hbm>> -> memref<1x128x128xf32, #tpu.memory_space<hbm>>
    %dma_start3A_161 = tpu.memref_squeeze %dma_start3A_160 : memref<1x128x128xf32, #tpu.memory_space<hbm>> -> memref<128x128xf32, #tpu.memory_space<hbm>>
    %dma_start3A_162 = arith.constant 0 : i32
    %dma_start3A_163 = tpu.memref_slice %arg11[%add3A_158, %dma_start3A_162] : memref<10240x128xf32, #tpu.memory_space<vmem_shared>> -> memref<128x128xf32, #tpu.memory_space<vmem_shared>>
    tpu.enqueue_dma source(%dma_start3A_163 : memref<128x128xf32, #tpu.memory_space<vmem_shared>>) target(%dma_start3A_161 : memref<128x128xf32, #tpu.memory_space<hbm>>) target_semaphore(%arg12 : memref<!tpu.dma_semaphore, #tpu.memory_space<semaphore_mem>>)
    %mul3A_164 = arith.constant 640 : i32
    %mul3A_165 = arith.muli %arg1, %mul3A_164 : i32
    %add3A_166 = arith.constant 384 : i32
    %add3A_167 = arith.addi %mul3A_165, %add3A_166 : i32
    %dma_start3A_168 = arith.constant 0 : i32
    %dma_start3A_169 = tpu.memref_slice %arg6[%arg0, %add3A_167, %dma_start3A_168] : memref<2x10240x128xf32, #tpu.memory_space<hbm>> -> memref<1x128x128xf32, #tpu.memory_space<hbm>>
    %dma_start3A_170 = tpu.memref_squeeze %dma_start3A_169 : memref<1x128x128xf32, #tpu.memory_space<hbm>> -> memref<128x128xf32, #tpu.memory_space<hbm>>
    %dma_start3A_171 = arith.constant 0 : i32
    %dma_start3A_172 = tpu.memref_slice %arg11[%add3A_167, %dma_start3A_171] : memref<10240x128xf32, #tpu.memory_space<vmem_shared>> -> memref<128x128xf32, #tpu.memory_space<vmem_shared>>
    tpu.enqueue_dma source(%dma_start3A_172 : memref<128x128xf32, #tpu.memory_space<vmem_shared>>) target(%dma_start3A_170 : memref<128x128xf32, #tpu.memory_space<hbm>>) target_semaphore(%arg13 : memref<!tpu.dma_semaphore, #tpu.memory_space<semaphore_mem>>)
    %mul3A_173 = arith.constant 640 : i32
    %mul3A_174 = arith.muli %arg1, %mul3A_173 : i32
    %add3A_175 = arith.constant 512 : i32
    %add3A_176 = arith.addi %mul3A_174, %add3A_175 : i32
    %dma_start3A_177 = arith.constant 0 : i32
    %dma_start3A_178 = tpu.memref_slice %arg6[%arg0, %add3A_176, %dma_start3A_177] : memref<2x10240x128xf32, #tpu.memory_space<hbm>> -> memref<1x128x128xf32, #tpu.memory_space<hbm>>
    %dma_start3A_179 = tpu.memref_squeeze %dma_start3A_178 : memref<1x128x128xf32, #tpu.memory_space<hbm>> -> memref<128x128xf32, #tpu.memory_space<hbm>>
    %dma_start3A_180 = arith.constant 0 : i32
    %dma_start3A_181 = tpu.memref_slice %arg11[%add3A_176, %dma_start3A_180] : memref<10240x128xf32, #tpu.memory_space<vmem_shared>> -> memref<128x128xf32, #tpu.memory_space<vmem_shared>>
    tpu.enqueue_dma source(%dma_start3A_181 : memref<128x128xf32, #tpu.memory_space<vmem_shared>>) target(%dma_start3A_179 : memref<128x128xf32, #tpu.memory_space<hbm>>) target_semaphore(%arg12 : memref<!tpu.dma_semaphore, #tpu.memory_space<semaphore_mem>>)
    %mul3A_182 = arith.constant 640 : i32
    %mul3A_183 = arith.muli %arg1, %mul3A_182 : i32
    %add3A_184 = arith.constant 0 : i32
    %add3A_185 = arith.addi %mul3A_183, %add3A_184 : i32
    %dma_wait3A_186 = arith.constant 0 : i32
    %dma_wait3A_187 = tpu.memref_slice %arg6[%arg0, %add3A_185, %dma_wait3A_186] : memref<2x10240x128xf32, #tpu.memory_space<hbm>> -> memref<1x128x128xf32, #tpu.memory_space<hbm>>
    %dma_wait3A_188 = tpu.memref_squeeze %dma_wait3A_187 : memref<1x128x128xf32, #tpu.memory_space<hbm>> -> memref<128x128xf32, #tpu.memory_space<hbm>>
    %dma_wait3A_189 = arith.constant 0 : i32
    %dma_wait3A_190 = tpu.memref_slice %arg11[%add3A_185, %dma_wait3A_189] : memref<10240x128xf32, #tpu.memory_space<vmem_shared>> -> memref<128x128xf32, #tpu.memory_space<vmem_shared>>
    tpu.wait_dma2 semaphore(%arg12 : memref<!tpu.dma_semaphore, #tpu.memory_space<semaphore_mem>>) src(%dma_wait3A_190 : memref<128x128xf32, #tpu.memory_space<vmem_shared>>) dst(%dma_wait3A_188 : memref<128x128xf32, #tpu.memory_space<hbm>>)
    %mul3A_191 = arith.constant 640 : i32
    %mul3A_192 = arith.muli %arg1, %mul3A_191 : i32
    %add3A_193 = arith.constant 128 : i32
    %add3A_194 = arith.addi %mul3A_192, %add3A_193 : i32
    %dma_wait3A_195 = arith.constant 0 : i32
    %dma_wait3A_196 = tpu.memref_slice %arg6[%arg0, %add3A_194, %dma_wait3A_195] : memref<2x10240x128xf32, #tpu.memory_space<hbm>> -> memref<1x128x128xf32, #tpu.memory_space<hbm>>
    %dma_wait3A_197 = tpu.memref_squeeze %dma_wait3A_196 : memref<1x128x128xf32, #tpu.memory_space<hbm>> -> memref<128x128xf32, #tpu.memory_space<hbm>>
    %dma_wait3A_198 = arith.constant 0 : i32
    %dma_wait3A_199 = tpu.memref_slice %arg11[%add3A_194, %dma_wait3A_198] : memref<10240x128xf32, #tpu.memory_space<vmem_shared>> -> memref<128x128xf32, #tpu.memory_space<vmem_shared>>
    tpu.wait_dma2 semaphore(%arg13 : memref<!tpu.dma_semaphore, #tpu.memory_space<semaphore_mem>>) src(%dma_wait3A_199 : memref<128x128xf32, #tpu.memory_space<vmem_shared>>) dst(%dma_wait3A_197 : memref<128x128xf32, #tpu.memory_space<hbm>>)
    %mul3A_200 = arith.constant 640 : i32
    %mul3A_201 = arith.muli %arg1, %mul3A_200 : i32
    %add3A_202 = arith.constant 256 : i32
    %add3A_203 = arith.addi %mul3A_201, %add3A_202 : i32
    %dma_wait3A_204 = arith.constant 0 : i32
    %dma_wait3A_205 = tpu.memref_slice %arg6[%arg0, %add3A_203, %dma_wait3A_204] : memref<2x10240x128xf32, #tpu.memory_space<hbm>> -> memref<1x128x128xf32, #tpu.memory_space<hbm>>
    %dma_wait3A_206 = tpu.memref_squeeze %dma_wait3A_205 : memref<1x128x128xf32, #tpu.memory_space<hbm>> -> memref<128x128xf32, #tpu.memory_space<hbm>>
    %dma_wait3A_207 = arith.constant 0 : i32
    %dma_wait3A_208 = tpu.memref_slice %arg11[%add3A_203, %dma_wait3A_207] : memref<10240x128xf32, #tpu.memory_space<vmem_shared>> -> memref<128x128xf32, #tpu.memory_space<vmem_shared>>
    tpu.wait_dma2 semaphore(%arg12 : memref<!tpu.dma_semaphore, #tpu.memory_space<semaphore_mem>>) src(%dma_wait3A_208 : memref<128x128xf32, #tpu.memory_space<vmem_shared>>) dst(%dma_wait3A_206 : memref<128x128xf32, #tpu.memory_space<hbm>>)
    %mul3A_209 = arith.constant 640 : i32
    %mul3A_210 = arith.muli %arg1, %mul3A_209 : i32
    %add3A_211 = arith.constant 384 : i32
    %add3A_212 = arith.addi %mul3A_210, %add3A_211 : i32
    %dma_wait3A_213 = arith.constant 0 : i32
    %dma_wait3A_214 = tpu.memref_slice %arg6[%arg0, %add3A_212, %dma_wait3A_213] : memref<2x10240x128xf32, #tpu.memory_space<hbm>> -> memref<1x128x128xf32, #tpu.memory_space<hbm>>
    %dma_wait3A_215 = tpu.memref_squeeze %dma_wait3A_214 : memref<1x128x128xf32, #tpu.memory_space<hbm>> -> memref<128x128xf32, #tpu.memory_space<hbm>>
    %dma_wait3A_216 = arith.constant 0 : i32
    %dma_wait3A_217 = tpu.memref_slice %arg11[%add3A_212, %dma_wait3A_216] : memref<10240x128xf32, #tpu.memory_space<vmem_shared>> -> memref<128x128xf32, #tpu.memory_space<vmem_shared>>
    tpu.wait_dma2 semaphore(%arg13 : memref<!tpu.dma_semaphore, #tpu.memory_space<semaphore_mem>>) src(%dma_wait3A_217 : memref<128x128xf32, #tpu.memory_space<vmem_shared>>) dst(%dma_wait3A_215 : memref<128x128xf32, #tpu.memory_space<hbm>>)
    %mul3A_218 = arith.constant 640 : i32
    %mul3A_219 = arith.muli %arg1, %mul3A_218 : i32
    %add3A_220 = arith.constant 512 : i32
    %add3A_221 = arith.addi %mul3A_219, %add3A_220 : i32
    %dma_wait3A_222 = arith.constant 0 : i32
    %dma_wait3A_223 = tpu.memref_slice %arg6[%arg0, %add3A_221, %dma_wait3A_222] : memref<2x10240x128xf32, #tpu.memory_space<hbm>> -> memref<1x128x128xf32, #tpu.memory_space<hbm>>
    %dma_wait3A_224 = tpu.memref_squeeze %dma_wait3A_223 : memref<1x128x128xf32, #tpu.memory_space<hbm>> -> memref<128x128xf32, #tpu.memory_space<hbm>>
    %dma_wait3A_225 = arith.constant 0 : i32
    %dma_wait3A_226 = tpu.memref_slice %arg11[%add3A_221, %dma_wait3A_225] : memref<10240x128xf32, #tpu.memory_space<vmem_shared>> -> memref<128x128xf32, #tpu.memory_space<vmem_shared>>
    tpu.wait_dma2 semaphore(%arg12 : memref<!tpu.dma_semaphore, #tpu.memory_space<semaphore_mem>>) src(%dma_wait3A_226 : memref<128x128xf32, #tpu.memory_space<vmem_shared>>) dst(%dma_wait3A_224 : memref<128x128xf32, #tpu.memory_space<hbm>>)
    return
  }
}

module attributes {stable_mosaic.version = 14 : i64} {
  func.func @_front_body(%arg0: i32, %arg1: memref<1024x256xf32, #tpu.memory_space<vmem>>, %arg2: memref<256x128xf32, #tpu.memory_space<vmem>>, %arg3: memref<2x1024x1xf32, #tpu.memory_space<vmem>>, %arg4: memref<1024x128xf32, #tpu.memory_space<vmem>>, %arg5: memref<1024x1xf32, #tpu.memory_space<vmem>>) attributes {dimension_semantics = [#tpu.dimension_semantics<arbitrary>], iteration_bounds = array<i64: 10>, scalar_prefetch = 0 : i64, scratch_operands = 0 : i64, tpu.core_type = #tpu.core_type<tc>, window_params = [{transform_indices = @transform_0, window_bounds = array<i64: 1024, 256>}, {pipeline_mode = #tpu.pipeline_mode<synchronous>, transform_indices = @transform_1, window_bounds = array<i64: 256, 128>}, {transform_indices = @transform_2, window_bounds = array<i64: 2, 1024, 1>}, {transform_indices = @transform_3, window_bounds = array<i64: 1024, 128>}, {transform_indices = @transform_4, window_bounds = array<i64: 1024, 1>}]} {
    %get3A = arith.constant 0 : index
    %get3A_0 = arith.constant 0 : index
    %get3A_1 = arith.constant 0 : index
    %get3A_2 = vector.load %arg3[%get3A, %get3A_0, %get3A_1] : memref<2x1024x1xf32, #tpu.memory_space<vmem>>, vector<1x1024x1xf32>
    %get3A_3 = vector.shape_cast %get3A_2 : vector<1x1024x1xf32> to vector<1024x1xf32>
    %get3A_4 = arith.constant 1 : index
    %get3A_5 = arith.constant 0 : index
    %get3A_6 = arith.constant 0 : index
    %get3A_7 = vector.load %arg3[%get3A_4, %get3A_5, %get3A_6] : memref<2x1024x1xf32, #tpu.memory_space<vmem>>, vector<1x1024x1xf32>
    %get3A_8 = vector.shape_cast %get3A_7 : vector<1x1024x1xf32> to vector<1024x1xf32>
    %add3A = arith.addf %get3A_3, %get3A_8 : vector<1024x1xf32>
    %add3A_9 = arith.constant 1.000000e+00 : f32
    %add3A_10 = vector.broadcast %add3A_9 : f32 to vector<1024x1xf32>
    %add3A_11 = arith.addf %add3A, %add3A_10 : vector<1024x1xf32>
    %mul3A = arith.constant 1024 : i32
    %mul3A_12 = arith.muli %arg0, %mul3A : i32
    %iota3A = tpu.iota {dimensions = array<i32: 0>} : vector<1024x1xi32>
    %add3A_13 = vector.broadcast %mul3A_12 : i32 to vector<1024x1xi32>
    %add3A_14 = arith.addi %add3A_13, %iota3A : vector<1024x1xi32>
    %lt3A = arith.constant 10000 : i32
    %lt3A_15 = vector.broadcast %lt3A : i32 to vector<1024x1xi32>
    %lt3A_16 = arith.cmpi slt, %add3A_14, %lt3A_15 : vector<1024x1xi32>
    %rsqrt3A = math.rsqrt %add3A_11 : vector<1024x1xf32>
    %jit3A = arith.constant 0.000000e+00 : f32
    %broadcast_in_dim3A = vector.broadcast %jit3A : f32 to vector<1024x1xf32>
    %select_n3A = arith.select %lt3A_16, %rsqrt3A, %broadcast_in_dim3A : vector<1024x1xi1>, vector<1024x1xf32>
    %get3A_17 = arith.constant 0 : index
    %get3A_18 = arith.constant 0 : index
    %get3A_19 = vector.load %arg1[%get3A_17, %get3A_18] : memref<1024x256xf32, #tpu.memory_space<vmem>>, vector<1024x256xf32>
    %get3A_20 = arith.constant 0 : index
    %get3A_21 = arith.constant 0 : index
    %get3A_22 = vector.load %arg2[%get3A_20, %get3A_21] : memref<256x128xf32, #tpu.memory_space<vmem>>, vector<256x128xf32>
    %dot_general3A = arith.constant dense<0.000000e+00> : vector<1024x128xf32>
    %dot_general3A_23 = tpu.matmul %get3A_19, %get3A_22, %dot_general3A {dimension_numbers = #tpu.dot_dimension_numbers<[1], [0], [0], [1], [0, 0, 1, 1], [], []>, transpose_lhs_hint = false} : vector<1024x256xf32>, vector<256x128xf32>, vector<1024x128xf32> -> vector<1024x128xf32>
    %mul3A_24 = vector.broadcast %select_n3A : vector<1024x1xf32> to vector<1024x128xf32>
    %mul3A_25 = arith.mulf %dot_general3A_23, %mul3A_24 : vector<1024x128xf32>
    %swap3A = arith.constant 0 : index
    %swap3A_26 = arith.constant 0 : index
    %swap3A_27 = vector.load %arg4[%swap3A, %swap3A_26] : memref<1024x128xf32, #tpu.memory_space<vmem>>, vector<1024x128xf32>
    tpu.vector_store %arg4[%swap3A, %swap3A_26], %mul3A_25 {strides = array<i32>} : memref<1024x128xf32, #tpu.memory_space<vmem>>, vector<1024x128xf32>,
    %swap3A_28 = arith.constant 0 : index
    %swap3A_29 = arith.constant 0 : index
    %swap3A_30 = vector.load %arg5[%swap3A_28, %swap3A_29] : memref<1024x1xf32, #tpu.memory_space<vmem>>, vector<1024x1xf32>
    tpu.vector_store %arg5[%swap3A_28, %swap3A_29], %select_n3A {strides = array<i32>} : memref<1024x1xf32, #tpu.memory_space<vmem>>, vector<1024x1xf32>,
    return
  }
  func.func @transform_0(%arg0: i32) -> (i32, i32) {
    %c0_i32 = arith.constant 0 : i32
    %c0_i32_0 = arith.constant 0 : i32
    return %arg0, %c0_i32 : i32, i32
  }
  func.func @transform_1(%arg0: i32) -> (i32, i32) {
    %c0_i32 = arith.constant 0 : i32
    %c0_i32_0 = arith.constant 0 : i32
    %c0_i32_1 = arith.constant 0 : i32
    return %c0_i32, %c0_i32_0 : i32, i32
  }
  func.func @transform_2(%arg0: i32) -> (i32, i32, i32) {
    %c0_i32 = arith.constant 0 : i32
    %c0_i32_0 = arith.constant 0 : i32
    %c0_i32_1 = arith.constant 0 : i32
    return %c0_i32, %arg0, %c0_i32_0 : i32, i32, i32
  }
  func.func @transform_3(%arg0: i32) -> (i32, i32) {
    %c0_i32 = arith.constant 0 : i32
    %c0_i32_0 = arith.constant 0 : i32
    return %arg0, %c0_i32 : i32, i32
  }
  func.func @transform_4(%arg0: i32) -> (i32, i32) {
    %c0_i32 = arith.constant 0 : i32
    %c0_i32_0 = arith.constant 0 : i32
    return %arg0, %c0_i32 : i32, i32
  }
}

module attributes {stable_mosaic.version = 14 : i64} {
  func.func @_mid_body(%arg0: i32, %arg1: memref<2x1024x128xf32, #tpu.memory_space<vmem>>, %arg2: memref<1024x128xf32, #tpu.memory_space<vmem>>, %arg3: memref<1024x1xf32, #tpu.memory_space<vmem>>, %arg4: memref<1x128xf32, #tpu.memory_space<vmem>>, %arg5: memref<128x1xf32, #tpu.memory_space<vmem>>, %arg6: memref<1024x1xf32, #tpu.memory_space<vmem>>) attributes {dimension_semantics = [#tpu.dimension_semantics<arbitrary>], iteration_bounds = array<i64: 10>, scalar_prefetch = 0 : i64, scratch_operands = 0 : i64, tpu.core_type = #tpu.core_type<tc>, window_params = [{transform_indices = @transform_0, window_bounds = array<i64: 2, 1024, 128>}, {transform_indices = @transform_1, window_bounds = array<i64: 1024, 128>}, {transform_indices = @transform_2, window_bounds = array<i64: 1024, 1>}, {pipeline_mode = #tpu.pipeline_mode<synchronous>, transform_indices = @transform_3, window_bounds = array<i64: 1, 128>}, {pipeline_mode = #tpu.pipeline_mode<synchronous>, transform_indices = @transform_4, window_bounds = array<i64: 128, 1>}, {transform_indices = @transform_5, window_bounds = array<i64: 1024, 1>}]} {
    %get3A = arith.constant 0 : index
    %get3A_0 = arith.constant 0 : index
    %get3A_1 = arith.constant 0 : index
    %get3A_2 = vector.load %arg1[%get3A, %get3A_0, %get3A_1] : memref<2x1024x128xf32, #tpu.memory_space<vmem>>, vector<1x1024x128xf32>
    %get3A_3 = vector.shape_cast %get3A_2 : vector<1x1024x128xf32> to vector<1024x128xf32>
    %get3A_4 = arith.constant 1 : index
    %get3A_5 = arith.constant 0 : index
    %get3A_6 = arith.constant 0 : index
    %get3A_7 = vector.load %arg1[%get3A_4, %get3A_5, %get3A_6] : memref<2x1024x128xf32, #tpu.memory_space<vmem>>, vector<1x1024x128xf32>
    %get3A_8 = vector.shape_cast %get3A_7 : vector<1x1024x128xf32> to vector<1024x128xf32>
    %add3A = arith.addf %get3A_3, %get3A_8 : vector<1024x128xf32>
    %get3A_9 = arith.constant 0 : index
    %get3A_10 = arith.constant 0 : index
    %get3A_11 = vector.load %arg2[%get3A_9, %get3A_10] : memref<1024x128xf32, #tpu.memory_space<vmem>>, vector<1024x128xf32>
    %add3A_12 = arith.addf %add3A, %get3A_11 : vector<1024x128xf32>
    %get3A_13 = arith.constant 0 : index
    %get3A_14 = arith.constant 0 : index
    %get3A_15 = vector.load %arg3[%get3A_13, %get3A_14] : memref<1024x1xf32, #tpu.memory_space<vmem>>, vector<1024x1xf32>
    %mul3A = vector.broadcast %get3A_15 : vector<1024x1xf32> to vector<1024x128xf32>
    %mul3A_16 = arith.mulf %add3A_12, %mul3A : vector<1024x128xf32>
    %get3A_17 = arith.constant 0 : index
    %get3A_18 = arith.constant 0 : index
    %get3A_19 = vector.load %arg4[%get3A_17, %get3A_18] : memref<1x128xf32, #tpu.memory_space<vmem>>, vector<1x128xf32>
    %add3A_20 = vector.broadcast %get3A_19 : vector<1x128xf32> to vector<1024x128xf32>
    %add3A_21 = arith.addf %mul3A_16, %add3A_20 : vector<1024x128xf32>
    %tanh3A = math.tanh %add3A_21 : vector<1024x128xf32>
    %get3A_22 = arith.constant 0 : index
    %get3A_23 = arith.constant 0 : index
    %get3A_24 = vector.load %arg5[%get3A_22, %get3A_23] : memref<128x1xf32, #tpu.memory_space<vmem>>, vector<128x1xf32>
    %dot_general3A = arith.constant dense<0.000000e+00> : vector<1024x1xf32>
    %dot_general3A_25 = tpu.matmul %tanh3A, %get3A_24, %dot_general3A {dimension_numbers = #tpu.dot_dimension_numbers<[1], [0], [0], [1], [0, 0, 1, 1], [], []>, transpose_lhs_hint = false} : vector<1024x128xf32>, vector<128x1xf32>, vector<1024x1xf32> -> vector<1024x1xf32>
    %get3A_26 = arith.constant 0 : index
    %get3A_27 = arith.constant 0 : index
    %get3A_28 = vector.load %arg3[%get3A_26, %get3A_27] : memref<1024x1xf32, #tpu.memory_space<vmem>>, vector<1024x1xf32>
    %mul3A_29 = arith.mulf %dot_general3A_25, %get3A_28 : vector<1024x1xf32>
    %swap3A = arith.constant 0 : index
    %swap3A_30 = arith.constant 0 : index
    %swap3A_31 = vector.load %arg6[%swap3A, %swap3A_30] : memref<1024x1xf32, #tpu.memory_space<vmem>>, vector<1024x1xf32>
    tpu.vector_store %arg6[%swap3A, %swap3A_30], %mul3A_29 {strides = array<i32>} : memref<1024x1xf32, #tpu.memory_space<vmem>>, vector<1024x1xf32>,
    return
  }
  func.func @transform_0(%arg0: i32) -> (i32, i32, i32) {
    %c0_i32 = arith.constant 0 : i32
    %c0_i32_0 = arith.constant 0 : i32
    %c0_i32_1 = arith.constant 0 : i32
    return %c0_i32, %arg0, %c0_i32_0 : i32, i32, i32
  }
  func.func @transform_1(%arg0: i32) -> (i32, i32) {
    %c0_i32 = arith.constant 0 : i32
    %c0_i32_0 = arith.constant 0 : i32
    return %arg0, %c0_i32 : i32, i32
  }
  func.func @transform_2(%arg0: i32) -> (i32, i32) {
    %c0_i32 = arith.constant 0 : i32
    %c0_i32_0 = arith.constant 0 : i32
    return %arg0, %c0_i32 : i32, i32
  }
  func.func @transform_3(%arg0: i32) -> (i32, i32) {
    %c0_i32 = arith.constant 0 : i32
    %c0_i32_0 = arith.constant 0 : i32
    %c0_i32_1 = arith.constant 0 : i32
    return %c0_i32, %c0_i32_0 : i32, i32
  }
  func.func @transform_4(%arg0: i32) -> (i32, i32) {
    %c0_i32 = arith.constant 0 : i32
    %c0_i32_0 = arith.constant 0 : i32
    %c0_i32_1 = arith.constant 0 : i32
    return %c0_i32, %c0_i32_0 : i32, i32
  }
  func.func @transform_5(%arg0: i32) -> (i32, i32) {
    %c0_i32 = arith.constant 0 : i32
    %c0_i32_0 = arith.constant 0 : i32
    return %arg0, %c0_i32 : i32, i32
  }
}

module attributes {stable_mosaic.version = 14 : i64} {
  func.func @_tail_body(%arg0: memref<2x80x128xf32, #tpu.memory_space<vmem>>, %arg1: memref<80x128xf32, #tpu.memory_space<vmem>>, %arg2: memref<80x128xf32, #tpu.memory_space<vmem>>, %arg3: memref<1x1xf32, #tpu.memory_space<vmem>>, %arg4: memref<1x1xf32, #tpu.memory_space<vmem>>) attributes {dimension_semantics = [], scalar_prefetch = 0 : i64, scratch_operands = 0 : i64, tpu.core_type = #tpu.core_type<tc>} {
    %get3A = arith.constant 0 : index
    %get3A_0 = arith.constant 0 : index
    %get3A_1 = arith.constant 0 : index
    %get3A_2 = vector.load %arg0[%get3A, %get3A_0, %get3A_1] : memref<2x80x128xf32, #tpu.memory_space<vmem>>, vector<1x80x128xf32>
    %get3A_3 = vector.shape_cast %get3A_2 : vector<1x80x128xf32> to vector<80x128xf32>
    %get3A_4 = arith.constant 1 : index
    %get3A_5 = arith.constant 0 : index
    %get3A_6 = arith.constant 0 : index
    %get3A_7 = vector.load %arg0[%get3A_4, %get3A_5, %get3A_6] : memref<2x80x128xf32, #tpu.memory_space<vmem>>, vector<1x80x128xf32>
    %get3A_8 = vector.shape_cast %get3A_7 : vector<1x80x128xf32> to vector<80x128xf32>
    %add3A = arith.addf %get3A_3, %get3A_8 : vector<80x128xf32>
    %get3A_9 = arith.constant 0 : index
    %get3A_10 = arith.constant 0 : index
    %get3A_11 = vector.load %arg1[%get3A_9, %get3A_10] : memref<80x128xf32, #tpu.memory_space<vmem>>, vector<80x128xf32>
    %add3A_12 = arith.addf %add3A, %get3A_11 : vector<80x128xf32>
    %get3A_13 = arith.constant 0 : index
    %get3A_14 = arith.constant 0 : index
    %get3A_15 = vector.load %arg2[%get3A_13, %get3A_14] : memref<80x128xf32, #tpu.memory_space<vmem>>, vector<80x128xf32>
    %mul3A = arith.mulf %add3A_12, %get3A_15 : vector<80x128xf32>
    %get3A_16 = arith.constant 0 : index
    %get3A_17 = arith.constant 0 : index
    %get3A_18 = vector.load %arg3[%get3A_16, %get3A_17] : memref<1x1xf32, #tpu.memory_space<vmem>>, vector<1x1xf32>
    %add3A_19 = vector.broadcast %get3A_18 : vector<1x1xf32> to vector<80x128xf32>
    %add3A_20 = arith.addf %mul3A, %add3A_19 : vector<80x128xf32>
    %iota3A = tpu.iota {dimensions = array<i32: 0>} : vector<80x128xi32>
    %mul3A_21 = arith.constant 128 : i32
    %mul3A_22 = vector.broadcast %mul3A_21 : i32 to vector<80x128xi32>
    %mul3A_23 = arith.muli %iota3A, %mul3A_22 : vector<80x128xi32>
    %iota3A_24 = tpu.iota {dimensions = array<i32: 1>} : vector<80x128xi32>
    %add3A_25 = arith.addi %mul3A_23, %iota3A_24 : vector<80x128xi32>
    %lt3A = arith.constant 10000 : i32
    %lt3A_26 = vector.broadcast %lt3A : i32 to vector<80x128xi32>
    %lt3A_27 = arith.cmpi slt, %add3A_25, %lt3A_26 : vector<80x128xi32>
    %mul3A_28 = arith.mulf %add3A_20, %add3A_20 : vector<80x128xf32>
    %jit3A = arith.constant 0.000000e+00 : f32
    %broadcast_in_dim3A = vector.broadcast %jit3A : f32 to vector<80x128xf32>
    %select_n3A = arith.select %lt3A_27, %mul3A_28, %broadcast_in_dim3A : vector<80x128xi1>, vector<80x128xf32>
    %reduce_sum3A = vector.shape_cast %select_n3A : vector<80x128xf32> to vector<1x80x128xf32>
    %reduce_sum3A_29 = arith.constant dense<0.000000e+00> : vector<1xf32>
    %reduce_sum3A_30 = vector.multi_reduction <add>, %reduce_sum3A, %reduce_sum3A_29 [1, 2] : vector<1x80x128xf32> to vector<1xf32>
    %reduce_sum3A_31 = vector.shape_cast %reduce_sum3A_30 : vector<1xf32> to vector<1x1x1xf32>
    %reduce_sum3A_32 = vector.extract %reduce_sum3A_31[0, 0, 0] : f32 from vector<1x1x1xf32>
    %broadcast_in_dim3A_33 = vector.broadcast %reduce_sum3A_32 : f32 to vector<1x1xf32>
    %sqrt3A = math.sqrt %broadcast_in_dim3A_33 : vector<1x1xf32>
    %swap3A = arith.constant 0 : index
    %swap3A_34 = arith.constant 0 : index
    %swap3A_35 = vector.load %arg4[%swap3A, %swap3A_34] : memref<1x1xf32, #tpu.memory_space<vmem>>, vector<1x1xf32>
    tpu.vector_store %arg4[%swap3A, %swap3A_34], %sqrt3A {strides = array<i32>} : memref<1x1xf32, #tpu.memory_space<vmem>>, vector<1x1xf32>,
    return
  }
}

</mosaic_0001>

<sc_bundles>
// kernel: kernel.11.cloned.1.call-start
scs
__scs_entry_jumppad:
0x0: {  	(pc) =	sbr.rel $0x88, $3  }
0x1: {  	(tag) =	ssettag $0x0;
	lr =	simm.s32 $0x1  }
0x2: {  	[smem:$0x3F9B] =	sst lr;
	_ =	strace $0xD0000000  }
0x3: {  	_ = 	snop  }
0x4: {  	_ = 	snop  }
0x5: {  	_ = 	snop  }
0x6: {  	_ = 	snop  }
0x7: {  	_ = 	snop  }
__scs_overlays_trampoline_lowered:
0x8: {  	[smem:$0x3FAA] =	sst s0  }
0x9: {  	[smem:$0x3FAB] =	sst s1  }
0xa: {  	[smem:$0x3FAC] =	sst s2  }
0xb: {  	[smem:$0x3FAD] =	sst s3  }
0xc: {  	[smem:$0x3FAE] =	sst s4  }
0xd: {  	[smem:$0x3FAF] =	sst s5  }
0xe: {  	[smem:$0x3FB0] =	sst s6  }
0xf: {  	[smem:$0x3FB1] =	sst s7  }
0x10: {  	[smem:$0x3FB2] =	sst s8  }
0x11: {  	[smem:$0x3FB3] =	sst s9;
	s0 =	simm.s32 @!p0 $0x0  }
0x12: {  	s1 =	sld [smem:$0x3F99];
	s0 =	simm.s32 @p0 $0x1  }
0x13: {  	[smem:$0x3FB4] =	sst s0;
	s0 =	simm.s32 @!p1 $0x0  }
0x14: {  	s2 =	sld [smem:$0x3F98];
	s0 =	simm.s32 @p1 $0x1  }
0x15: {  	[smem:$0x3FB5] =	sst s0;
	s0 =	simm.s32 @!p2 $0x0  }
0x16: {  	s3 =	sld [smem:$0x3FDB];
	s0 =	simm.s32 @p2 $0x1  }
0x17: {  	s4 =	simm.s32 $0x1BF5;
	[smem:$0x3FB7] =	sst s0  }
0x18: {  	s0 =	sld [smem:$0x3F9A];
	_ =	swait.ge [sflag:s4], $0x0  }
0x19: {  	s7 =	sld [smem:$0x3F9B]  }
0x1a: {  	s8 =	sadd.s32 $0xFFFFE003, lr  }
0x1b: {  	s9 =	sadd.s32 $0xFFFFFEF7, lr;
	s5 =	simm.s32 $0xFFFFFFFF;
	p2 =	slt.u32 s8, $0xFFFFF086  }
0x1c: {  	p1 =	slt.u32 s9, $0xF7A;
	s5 =	simm.s32 @!p2 $0x0  }
0x1d: {  	s5 =	simm.s32 @p1 $0x1;
	p0 =	seq.s32 s7, s2  }
0x1e: {  	s7 =	smul.u32 @!p0 $0xF7A, s2;
	p2 =	seq.s32 @!p0 s5, $0x0  }
0x1f: {  	s9 =	smul.u32 $0xF7A, s1;
	s8 =	simm.s32 @!p0 $0x1BF5;
	p2 =	por !p2, p0  }
0x20: {  	[sflag:s8] =	ssyncset.s32 @!p0 $0xFFFFF086;
	s6 =	sadd.s32 @!p0 s3, s7;
	s7 =	simm.s32 @!p0 $0x108  }
0x21: {  	s3 =	sadd.s32 s3, s9;
	s6 =	sadd.s32 @!p0 $0x88, s6;
	s7 =	simm.s32 @p2 $0x1082  }
0x22: {  	[simem:s7], [sflag:s8] =	dma.local @!p0 [hbm:s6], $0xF7A  }
0x23: {  	s9 =	sor.u32 $0xD0000000, s2;
	s6 =	simm.s32 $0x108;
	_ =	swait.ge @!p0 [sflag:s8], $0x0  }
0x24: {  	s3 =	sadd.s32 $0x88, s3;
	s6 =	simm.s32 @!p1 $0x1082;
	[sflag:s4] =	ssyncset.s32 $0xFFFFF086  }
0x25: {  	[simem:s6], [sflag:s4] =	dma.local [hbm:s3], $0xF7A  }
0x26: {  	[smem:$0x3F9B] =	sst s1;
	(tag) =	ssettag s2;
	_ =	strace s9  }
0x27: {  	s1 =	sld [smem:$0x3FAB]  }
0x28: {  	s2 =	sld [smem:$0x3FAC]  }
0x29: {  	s4 =	sld [smem:$0x3FAE]  }
0x2a: {  	p0 =	seq.s32 s5, $0x0;
	s5 =	sld [smem:$0x3FAF]  }
0x2b: {  	s6 =	sld [smem:$0x3FB0]  }
0x2c: {  	s7 =	sld [smem:$0x3FB1]  }
0x2d: {  	s3 =	simm.s32 $0x108;
	s8 =	sld [smem:$0x3FB2]  }
0x2e: {  	s3 =	simm.s32 @!p0 $0x1082;
	s9 =	sld [smem:$0x3FB3]  }
0x2f: {  	lr =	sadd.s32 s0, s3;
	s0 =	sld [smem:$0x3FAA]  }
0x30: {  	s3 =	sld [smem:$0x3FAD]  }
0x31: {  	[smem:$0x3FB6] =	sst s10  }
0x32: {  	s10 =	sld [smem:$0x3FB4];
	_ =	sdelay $0x3  }
0x33: {  	p0 =	seq.s32 s10, $0x1;
	s10 =	sld [smem:$0x3FB6];
	_ =	sdelay $0x3  }
0x34: {  	[smem:$0x3FB6] =	sst s10  }
0x35: {  	s10 =	sld [smem:$0x3FB5];
	_ =	sdelay $0x3  }
0x36: {  	p1 =	seq.s32 s10, $0x1;
	s10 =	sld [smem:$0x3FB6];
	_ =	sdelay $0x3  }
0x37: {  	[smem:$0x3FB6] =	sst s10  }
0x38: {  	s10 =	sld [smem:$0x3FB7]  }
0x39: {  	_ = 	snop;
	(pc) =	sbr.ind lr, $3  }
0x3a: {  	_ = 	snop  }
0x3b: {  	_ = 	snop  }
0x3c: {  	p2 =	seq.s32 s10, $0x1;
	s10 =	sld [smem:$0x3FB6]  }
0x3d: {  	_ =	shalt  }
0x3e: {  	_ =	shalt  }
0x3f: {  	_ =	shalt  }
0x40: {  	_ =	shalt  }
0x41: {  	_ =	shalt  }
0x42: {  	_ =	shalt  }
0x43: {  	_ =	shalt  }
0x44: {  	_ =	shalt  }
0x45: {  	_ =	shalt  }
0x46: {  	_ =	shalt  }
0x47: {  	_ =	shalt  }
0x48: {  	_ =	shalt  }
0x49: {  	_ =	shalt  }
0x4a: {  	_ =	shalt  }
0x4b: {  	_ =	shalt  }
0x4c: {  	_ =	shalt  }
0x4d: {  	_ =	shalt  }
0x4e: {  	_ =	shalt  }
0x4f: {  	_ =	shalt  }
0x50: {  	_ =	shalt  }
0x51: {  	_ =	shalt  }
0x52: {  	_ =	shalt  }
0x53: {  	_ =	shalt  }
0x54: {  	_ =	shalt  }
0x55: {  	_ =	shalt  }
0x56: {  	_ =	shalt  }
0x57: {  	_ =	shalt  }
0x58: {  	_ =	shalt  }
0x59: {  	_ =	shalt  }
0x5a: {  	_ =	shalt  }
0x5b: {  	_ =	shalt  }
0x5c: {  	_ =	shalt  }
0x5d: {  	_ =	shalt  }
0x5e: {  	_ =	shalt  }
0x5f: {  	_ =	shalt  }
0x60: {  	_ =	shalt  }
0x61: {  	_ =	shalt  }
0x62: {  	_ =	shalt  }
0x63: {  	_ =	shalt  }
0x64: {  	_ =	shalt  }
0x65: {  	_ =	shalt  }
0x66: {  	_ =	shalt  }
0x67: {  	_ =	shalt  }
0x68: {  	_ =	shalt  }
0x69: {  	_ =	shalt  }
0x6a: {  	_ =	shalt  }
0x6b: {  	_ =	shalt  }
0x6c: {  	_ =	shalt  }
0x6d: {  	_ =	shalt  }
0x6e: {  	_ =	shalt  }
0x6f: {  	_ =	shalt  }
0x70: {  	_ =	shalt  }
0x71: {  	_ =	shalt  }
0x72: {  	_ =	shalt  }
0x73: {  	_ =	shalt  }
0x74: {  	_ =	shalt  }
0x75: {  	_ =	shalt  }
0x76: {  	_ =	shalt  }
0x77: {  	_ =	shalt  }
0x78: {  	_ =	shalt  }
0x79: {  	_ =	shalt  }
0x7a: {  	_ =	shalt  }
0x7b: {  	_ =	shalt  }
0x7c: {  	_ =	shalt  }
0x7d: {  	_ =	shalt  }
0x7e: {  	_ =	shalt  }
0x7f: {  	_ =	shalt  }
0x80: {  	_ =	shalt  }
0x81: {  	_ =	shalt  }
0x82: {  	_ =	shalt  }
0x83: {  	_ =	shalt  }
0x84: {  	_ =	shalt  }
0x85: {  	_ =	shalt  }
0x86: {  	_ =	shalt  }
0x87: {  	_ =	shalt  }
.Lfunc_end0:
.L_simem_size_0:
called_computation.1_lowered:
.L_overlay_start_0:
0x88: {  	s2 =	sld [smem:$0x3FD9]  }
0x89: {  	s3 =	sld [smem:$0x3FFE];
	_ =	sdelay $0x1  }
0x8a: {  	s1 =	srdreg.scid  }
0x8b: {  	s0 =	sand.u32 $0x1, s1  }
0x8c: {  	s16 =	sshll.u32 s0, $0xA;
	s2 =	sadd.s32 s3, s2  }
0x8d: {  	s2 =	sadd.s32 s2, s16  }
0x8e: {  	[smem:$0x3FC2] =	sst s2  }
0x8f: {  	_ = 	snop  }
0x90: {  	(tm) =	ssettm $0x1  }
0x91: {  	s17 =	sld [smem:$0x3FFB];
	_ =	sdelay $0x3  }
0x92: {  	_ =	strace s17  }
0x93: {  	s2 =	sld [smem:$0x3FFC];
	_ =	sdelay $0x3  }
0x94: {  	_ =	strace s2  }
0x95: {  	s2 =	sld [smem:$0x3FFD];
	_ =	sdelay $0x3  }
0x96: {  	_ =	strace s2  }
0x97: {  	_ =	strace $0x8FFFFFFF  }
0x98: {  	s18 =	sld [smem:$0x3FDB];
	_ =	sdelay $0x1  }
0x99: {  	s19 =	simm.s32 $_scs_section_size  }
0x9a: {  	s4 =	simm.s32 $_size__tile_overlayer_lowered;
	s5 =	simm.s32 $_tile_overlayer_lowered  }
0x9b: {  	s22 =	simm.s32 $0x1BFF;
	s21 =	sshll.u32 s5, $0x1;
	s2 =	sadd.s32 s19, s18  }
0x9c: {  	s6 =	simm.s32 $0x0;
	s20 =	sshll.u32 s4, $0x1;
	s4 =	sadd.s32 s21, s2  }
0x9d: {  	[timem:s6], [sflag:s22] =	dma.local [hbm:s4], s20  }
0x9e: {  	_ =	swait.ge [sflag:s22], s20  }
0x9f: {  	s3 =	ssub.s32 $0x0, s20;
	[sflag:s22] =	ssyncset.done $0x0  }
0xa0: {  	[sflag:s22] =	ssyncadd.s32 s3;
	_ =	sdelay $0x1  }
0xa1: {  	s23 =	simm.s32 $0x1B8B  }
0xa2: {  	_ =	swait.ge [sflag:s23], $0x1  }
0xa3: {  	[sflag:s23] =	ssyncset.done $0x0  }
0xa4: {  	s25 =	simm.s32 $0x1B8E;
	s24 =	sld [smem:$0x3FFE];
	[sflag:s23] =	ssyncadd.s32 $0xFFFFFFFF  }
0xa5: {  	s26 =	simm.s32 $execute0_lowered;
	[smem:$0x3FD2] =	sst s25  }
0xa6: {  	s4 =	sshll.u32 s26, $0x1;
	_ =	strace $0x80000049;
	[dreg:$0x1] =	wrdreg $0xFFFFFFFF  }
0xa7: {  	s28 =	simm.s32 $_size_execute0_lowered;
	s2 =	sadd.s32 s2, s4;
	[dreg:$0x0] =	wrdreg $0x0  }
0xa8: {  	s4 =	sshll.u32 s28, $0x1;
	[dreg:$0x2] =	wrdreg s2  }
0xa9: {  	[dreg:$0x3] =	wrdreg s4  }
0xaa: {  	[dreg:$0x4] =	wrdreg $0xC0  }
0xab: {  	_ =	task [dreg:s6], $0x5FFFF  }
0xac: {  	[dreg:$0x1] =	wrdreg $0xFFFFFFFF  }
0xad: {  	[dreg:$0x0] =	wrdreg $0x60  }
0xae: {  	[dreg:$0x2] =	wrdreg s24  }
0xaf: {  	[dreg:$0x3] =	wrdreg $0xA8000  }
0xb0: {  	[dreg:$0x4] =	wrdreg $0x9  }
0xb1: {  	_ =	task.clear_ibuf [dreg:s6], $0x5FFFF;
	_ =	strace $0x90000049  }
0xb2: {  	s29 =	simm.s32 $0x9;
	_ =	strace $0x8000004B  }
0xb3: {  	_ =	swait.ge [sflag:s29], $0x1  }
0xb4: {  	[sflag:s29] =	ssyncadd.s32 $0xFFFFFFFF  }
0xb5: {  	_ =	strace $0x9000004B  }
0xb6: {  	_ =	sfence  }
0xb7: {  	s30 =	sld [smem:$0x0];
	_ =	sdelay $0x2  }
0xb8: {  	s31 =	sshll.u32 s1, $0xD;
	s1 =	sshrl.u32 s1, $0x2  }
0xb9: {  	s3 =	sand.u32 $0x4000, s31;
	s1 =	sadd.s32 s1, s30  }
0xba: {  	s0 =	sor.u32 s3, s0;
	s1 =	sshll.u32 s1, $0x11  }
0xbb: {  	s0 =	sor.u32 s1, s0  }
0xbc: {  	s0 =	sadd.s32 $0x8F2B, s0  }
0xbd: {  	[sflag:s0] =	ssyncadd.remote.s32 $0x1  }
0xbe: {  	_ =	sfence.sel $0xFFFF  }
0xbf: {  	[dreg:$0x0] =	wrdreg $0xFFFFFFFF;
	(pc) =	sbr.abs _section_cstart, $3  }
0xc0: {  	[dreg:$0x1] =	wrdreg $0xFFFFFFFF  }
0xc1: {  	_ =	task.clear_ibuf [dreg:s6], $0x2FFFF;
	_ =	strace $0x9FFFFFFF  }
0xc2: {  	(tm) =	ssettm $0x7FFFFFFF  }
0xc3: {  	_ =	shalt  }
tec
execute0_lowered:
.L_overlay_start_1:
0x0: {  	(tag) =	ssettag $0x1  }
0x1: {  	s1 =	rddreg [dreg:$0x0]  }
0x2: {  	s0 =	srdreg.scid;
	s2 =	rddreg [dreg:$0x1]  }
0x3: {  	s8 =	stileid.u32;
	s3 =	simm.s32 $0x0;
	s19 =	simm.s32 $0x2800  }
0x4: {  	s20 =	simm.s32 $0x5;
	s21 =	simm.s32 $0x1400;
	s22 =	simm.s32 $0x80  }
0x5: {  	s23 =	simm.s32 $0x1;
	s24 =	simm.s32 $0x6800;
	s25 =	simm.s32 $0x2  }
0x6: {  	s28 =	simm.s32 $0x3;
	s30 =	simm.s32 $0x4;
	s26 =	simm.s32 $0x0  }
0x7: {  	s0 =	sand.u32 $0x1, s0;
	[smem:$0x7FF] =	sst s3;
	s6 =	smul.u32 $0x50000, s8  }
0x8: {  	s13 =	smul.u32 $0x14000, s8;
	s4 =	sshll.u32 s0, $0x4;
	_ =	strace $0x8000004A  }
0x9: {  	s7 =	ssub.s32 $0x2, s0;
	s0 =	smul.u32 $0x140000, s0;
	s4 =	sor.u32 s8, s4  }
0xa: {  	s31 =	sshrl.u32 s7, $0x1;
	s6 =	sshrl.u32 s6, $0x2;
	s14 =	sadd.s32 $0x4000, s13  }
0xb: {  	s15 =	sadd.s32 $0x8000, s13;
	s16 =	sadd.s32 $0xC000, s13;
	s17 =	sadd.s32 $0x10000, s13  }
0xc: {  	s5 =	smul.u32 $0x280, s4;
	s4 =	sadd.s32 $0xB000, s1;
	s18 =	ssub.s32 s7, s31  }
0xd: {  	s6 =	sadd.s32 s6, s2;
	s7 =	sadd.s32 s14, s2;
	s8 =	sadd.s32 s15, s2  }
0xe: {  	s9 =	sadd.s32 s16, s2;
	s10 =	sadd.s32 s17, s2;
	s13 =	sadd.s32 s13, s0  }
0xf: {  	s14 =	sadd.s32 s0, s14;
	s15 =	sadd.s32 s0, s15;
	s16 =	sadd.s32 s0, s16  }
0x10: {  	s0 =	sadd.s32 s0, s17;
	s13 =	sshrl.u32 s13, $0x3;
	s14 =	sshrl.u32 s14, $0x3  }
0x11: {  	s15 =	sshrl.u32 s15, $0x3;
	s16 =	sshrl.u32 s16, $0x3;
	s0 =	sshrl.u32 s0, $0x3  }
0x12: {  	s18 =	smax.u32 s18, $0x1;
	s12 =	sadd.s32 s5, s1;
	s5 =	sadd.s32 $0x33000, s1  }
0x13: {  	s1 =	sadd.s32 $0x33800, s1;
	s11 =	sadd.s32 $0xA00, s12;
	s12 =	sadd.s32 $0x5A00, s12  }
0x14: {  	s13 =	sadd.s32 s1, s13;
	s14 =	sadd.s32 s1, s14;
	s15 =	sadd.s32 s1, s15  }
0x15: {  	s16 =	sadd.s32 s1, s16;
	s17 =	sadd.s32 s1, s0;
	s1 =	simm.s32 $0x2780  }
.LBB2_1:
0x16: {  	[tilespmem:s19], [sflag:$0x5] =	stream.linear.gather [hbm4b:s5+s3], $0x4000, $0x38;
	[tilespmem:$0x1E800] =	vst v63  }
0x17: {  	_ =	swait.ge [sflag:s20], $0x4000  }
0x18: {  	[sflag:s20] =	ssyncset.done $0x0  }
0x19: {  	[sflag:s20] =	ssyncadd.s32 $0xFFFFC000  }
0x1a: {  	[spmem:s6] =	stream.linear.scatter [tilespmem:s19], [sflag:$0x5], $0x4000, $0x38;
	[tilespmem:$0x1E800] =	vst v63  }
0x1b: {  	_ =	swait.ge [sflag:s20], $0x4000  }
0x1c: {  	[sflag:s20] =	ssyncset.done $0x0  }
0x1d: {  	[sflag:s20] =	ssyncadd.s32 $0xFFFFC000  }
0x1e: {  	[spmem:s7] =	stream.linear.scatter [tilespmem:s19], [sflag:$0x5], $0x4000, $0x38;
	[tilespmem:$0x1E800] =	vst v63  }
0x1f: {  	_ =	swait.ge [sflag:s20], $0x4000  }
0x20: {  	[sflag:s20] =	ssyncset.done $0x0  }
0x21: {  	[sflag:s20] =	ssyncadd.s32 $0xFFFFC000  }
0x22: {  	[spmem:s8] =	stream.linear.scatter [tilespmem:s19], [sflag:$0x5], $0x4000, $0x38;
	[tilespmem:$0x1E800] =	vst v63  }
0x23: {  	_ =	swait.ge [sflag:s20], $0x4000  }
0x24: {  	[sflag:s20] =	ssyncset.done $0x0  }
0x25: {  	[sflag:s20] =	ssyncadd.s32 $0xFFFFC000  }
0x26: {  	[spmem:s9] =	stream.linear.scatter [tilespmem:s19], [sflag:$0x5], $0x4000, $0x38;
	[tilespmem:$0x1E800] =	vst v63  }
0x27: {  	_ =	swait.ge [sflag:s20], $0x4000  }
0x28: {  	[sflag:s20] =	ssyncset.done $0x0  }
0x29: {  	[sflag:s20] =	ssyncadd.s32 $0xFFFFC000  }
0x2a: {  	[spmem:s10] =	stream.linear.scatter [tilespmem:s19], [sflag:$0x5], $0x4000, $0x38;
	[tilespmem:$0x1E800] =	vst v63  }
0x2b: {  	_ =	swait.ge [sflag:s20], $0x4000  }
0x2c: {  	[sflag:s20] =	ssyncset.done $0x0  }
0x2d: {  	[sflag:s20] =	ssyncadd.s32 $0xFFFFC000  }
0x2e: {  	[tilespmem:s3], [sflag:$0x5] =	stream.linear.gather [hbm4b:s11+s3], $0x1400, $0x38;
	[tilespmem:$0x1E800] =	vst v63  }
0x2f: {  	_ =	swait.ge [sflag:s20], $0x1400  }
0x30: {  	[sflag:s20] =	ssyncset.done $0x0  }
0x31: {  	[sflag:s20] =	ssyncadd.s32 $0xFFFFEC00  }
0x32: {  	[tilespmem:s21], [sflag:$0x5] =	stream.linear.gather [hbm4b:s12+s3], $0x1400, $0x38;
	[tilespmem:$0x1E800] =	vst v63  }
0x33: {  	_ =	swait.ge [sflag:s20], $0x1400  }
0x34: {  	[sflag:s20] =	ssyncset.done $0x0  }
0x35: {  	[sflag:s20] =	ssyncadd.s32 $0xFFFFEC00  }
0x36: {  	[bflag:$0x0] =	sbarrier.arrive $0xFFFF  }
0x37: {  	[tilespmem:s19], [sflag:$0x1] =	stream.indirect.gather [hbm4b:s4+s22], $0x80, s3, s22, $0xb8;
	[tilespmem:$0x1E800] =	vst v63  }
0x38: {  	_ =	swait.ge [sflag:s23], $0x4000  }
0x39: {  	[sflag:s23] =	ssyncset.done $0x0  }
0x3a: {  	[sflag:s23] =	ssyncadd.s32 $0xFFFFC000  }
0x3b: {  	[spmem:s2] =	stream.indirect.scatter.add.f32 [tilespmem:s19], [sflag:$0x3], $0x80, s21, s22, $0xb8;
	[tilespmem:$0x1E800] =	vst v63  }
0x3c: {  	_ = 	snop  }
0x3d: {  	[tilespmem:s24], [sflag:$0x2] =	stream.indirect.gather [hbm4b:s4+s22], $0x80, s22, s22, $0xb8;
	[tilespmem:$0x1E800] =	vst v63  }
0x3e: {  	_ =	swait.ge [sflag:s25], $0x4000  }
0x3f: {  	[sflag:s25] =	ssyncset.done $0x0  }
0x40: {  	s0 =	simm.s32 $0x1480;
	[sflag:s25] =	ssyncadd.s32 $0xFFFFC000  }
0x41: {  	[spmem:s2] =	stream.indirect.scatter.add.f32 [tilespmem:s24], [sflag:$0x4], $0x80, s0, s22, $0xb8;
	[tilespmem:$0x1E800] =	vst v63  }
0x42: {  	_ =	swait.ge [sflag:s28], $0x4000  }
0x43: {  	[sflag:s28] =	ssyncset.done $0x0  }
0x44: {  	s0 =	simm.s32 $0x100;
	[sflag:s28] =	ssyncadd.s32 $0xFFFFC000  }
0x45: {  	[tilespmem:s19], [sflag:$0x1] =	stream.indirect.gather [hbm4b:s4+s22], $0x80, s0, s22, $0xb8;
	[tilespmem:$0x1E800] =	vst v63  }
0x46: {  	_ =	swait.ge [sflag:s23], $0x4000  }
0x47: {  	[sflag:s23] =	ssyncset.done $0x0  }
0x48: {  	s29 =	simm.s32 $0x1500;
	[sflag:s23] =	ssyncadd.s32 $0xFFFFC000  }
0x49: {  	[spmem:s2] =	stream.indirect.scatter.add.f32 [tilespmem:s19], [sflag:$0x3], $0x80, s29, s22, $0xb8;
	[tilespmem:$0x1E800] =	vst v63  }
0x4a: {  	_ =	swait.ge [sflag:s30], $0x4000  }
0x4b: {  	[sflag:s30] =	ssyncset.done $0x0  }
0x4c: {  	s29 =	simm.s32 $0x180;
	[sflag:s30] =	ssyncadd.s32 $0xFFFFC000  }
0x4d: {  	[tilespmem:s24], [sflag:$0x2] =	stream.indirect.gather [hbm4b:s4+s22], $0x80, s29, s22, $0xb8;
	[tilespmem:$0x1E800] =	vst v63  }
0x4e: {  	_ =	swait.ge [sflag:s25], $0x4000  }
0x4f: {  	[sflag:s25] =	ssyncset.done $0x0  }
0x50: {  	s29 =	simm.s32 $0x1580;
	[sflag:s25] =	ssyncadd.s32 $0xFFFFC000  }
0x51: {  	[spmem:s2] =	stream.indirect.scatter.add.f32 [tilespmem:s24], [sflag:$0x4], $0x80, s29, s22, $0xb8;
	[tilespmem:$0x1E800] =	vst v63  }
0x52: {  	_ =	swait.ge [sflag:s28], $0x4000  }
0x53: {  	[sflag:s28] =	ssyncset.done $0x0  }
0x54: {  	s31 =	simm.s32 $0x200;
	s29 =	simm.s32 $0xFFFFBC00;
	[sflag:s28] =	ssyncadd.s32 $0xFFFFC000  }
.LBB2_2:
0x55: {  	[tilespmem:s19], [sflag:$0x1] =	stream.indirect.gather [hbm4b:s4+s22], $0x80, s31, s22, $0xb8;
	[tilespmem:$0x1E800] =	vst v63  }
0x56: {  	s31 =	smov.u32 s29  }
0x57: {  	p0 =	sne.s32 s29, $0xFFFFFC00;
	s29 =	sadd.s32 $0x400, s29;
	_ =	swait.ge [sflag:s23], $0x4000  }
0x58: {  	s31 =	sshra.s32 s31, $0x2;
	[sflag:s23] =	ssyncset.done $0x0  }
0x59: {  	s0 =	sadd.s32 $0x2700, s31;
	[sflag:s23] =	ssyncadd.s32 $0xFFFFC000  }
0x5a: {  	[spmem:s2] =	stream.indirect.scatter.add.f32 [tilespmem:s19], [sflag:$0x3], $0x80, s0, s22, $0xb8;
	[tilespmem:$0x1E800] =	vst v63  }
0x5b: {  	_ =	swait.ge [sflag:s30], $0x4000  }
0x5c: {  	[sflag:s30] =	ssyncset.done $0x0  }
0x5d: {  	s0 =	sadd.s32 $0x1380, s31;
	[sflag:s30] =	ssyncadd.s32 $0xFFFFC000  }
0x5e: {  	[tilespmem:s24], [sflag:$0x2] =	stream.indirect.gather [hbm4b:s4+s22], $0x80, s0, s22, $0xb8;
	[tilespmem:$0x1E800] =	vst v63  }
0x5f: {  	_ =	swait.ge [sflag:s25], $0x4000  }
0x60: {  	[sflag:s25] =	ssyncset.done $0x0  }
.Ltmp0:
0x61: {  	s0 =	sadd.s32 $0x2780, s31;
	[sflag:s25] =	ssyncadd.s32 $0xFFFFC000;
	(pc) =	sbr.rel @p0 .LBB2_2-.Ltmp0, $4  }
0x62: {  	[spmem:s2] =	stream.indirect.scatter.add.f32 [tilespmem:s24], [sflag:$0x4], $0x80, s0, s22, $0xb8;
	[tilespmem:$0x1E800] =	vst v63  }
0x63: {  	_ =	swait.ge [sflag:s28], $0x4000  }
0x64: {  	[sflag:s28] =	ssyncset.done $0x0  }
0x65: {  	s31 =	sadd.s32 $0x1400, s31;
	[sflag:s28] =	ssyncadd.s32 $0xFFFFC000  }
0x66: {  	[tilespmem:s19], [sflag:$0x1] =	stream.indirect.gather [hbm4b:s4+s22], $0x80, s31, s22, $0xb8;
	[tilespmem:$0x1E800] =	vst v63  }
0x67: {  	_ =	swait.ge [sflag:s23], $0x4000  }
0x68: {  	[sflag:s23] =	ssyncset.done $0x0  }
0x69: {  	s0 =	simm.s32 $0x2700;
	[sflag:s23] =	ssyncadd.s32 $0xFFFFC000  }
0x6a: {  	[spmem:s2] =	stream.indirect.scatter.add.f32 [tilespmem:s19], [sflag:$0x3], $0x80, s0, s22, $0xb8;
	[tilespmem:$0x1E800] =	vst v63  }
0x6b: {  	_ =	swait.ge [sflag:s30], $0x4000  }
0x6c: {  	[sflag:s30] =	ssyncset.done $0x0  }
0x6d: {  	s31 =	simm.s32 $0x1380;
	[sflag:s30] =	ssyncadd.s32 $0xFFFFC000  }
0x6e: {  	[tilespmem:s24], [sflag:$0x2] =	stream.indirect.gather [hbm4b:s4+s22], $0x80, s31, s22, $0xb8;
	[tilespmem:$0x1E800] =	vst v63  }
0x6f: {  	_ =	swait.ge [sflag:s25], $0x4000  }
0x70: {  	[sflag:s25] =	ssyncset.done $0x0  }
0x71: {  	[sflag:s25] =	ssyncadd.s32 $0xFFFFC000  }
0x72: {  	[spmem:s2] =	stream.indirect.scatter.add.f32 [tilespmem:s24], [sflag:$0x4], $0x80, s1, s22, $0xb8;
	[tilespmem:$0x1E800] =	vst v63  }
0x73: {  	_ =	swait.ge [sflag:s28], $0x4000  }
0x74: {  	[sflag:s28] =	ssyncset.done $0x0  }
0x75: {  	[sflag:s28] =	ssyncadd.s32 $0xFFFFC000  }
0x76: {  	_ =	swait.ge [sflag:s30], $0x4000  }
0x77: {  	s29 =	stileid.u32;
	[sflag:s30] =	ssyncset.done $0x0  }
0x78: {  	s0 =	sshll.u32 s29, $0x6;
	[sflag:s30] =	ssyncadd.s32 $0xFFFFC000  }
0x79: {  	s29 =	sor.u32 $0x1C01, s0;
	s31 =	sshrl.u32 s6, $0x3;
	[bflag:$0x0] =	sbarrier.arrive $0xFFFF  }
0x7a: {  	[hbm:s13], [sflag:s29] =	dma.local [spmem:s31], $0x800  }
0x7b: {  	s0 =	sor.u32 $0x1C02, s0;
	s31 =	sshrl.u32 s7, $0x3  }
0x7c: {  	[hbm:s14], [sflag:s0] =	dma.local [spmem:s31], $0x800  }
0x7d: {  	s31 =	sshrl.u32 s8, $0x3  }
0x7e: {  	[hbm:s15], [sflag:s29] =	dma.local [spmem:s31], $0x800  }
0x7f: {  	s31 =	sshrl.u32 s9, $0x3  }
0x80: {  	[hbm:s16], [sflag:s0] =	dma.local [spmem:s31], $0x800  }
0x81: {  	s31 =	sshrl.u32 s10, $0x3  }
0x82: {  	[hbm:s17], [sflag:s29] =	dma.local [spmem:s31], $0x800  }
0x83: {  	_ =	swait.ge [sflag:s23], $0x800  }
0x84: {  	[sflag:s23] =	ssyncset.done $0x0  }
0x85: {  	[sflag:s23] =	ssyncadd.s32 $0xFFFFF800  }
0x86: {  	_ =	swait.ge [sflag:s25], $0x800  }
0x87: {  	[sflag:s25] =	ssyncset.done $0x0  }
0x88: {  	[sflag:s25] =	ssyncadd.s32 $0xFFFFF800  }
0x89: {  	_ =	swait.ge [sflag:s23], $0x800  }
0x8a: {  	[sflag:s23] =	ssyncset.done $0x0  }
0x8b: {  	s26 =	sadd.s32 $0x1, s26;
	[sflag:s23] =	ssyncadd.s32 $0xFFFFF800  }
0x8c: {  	p0 =	sne.s32 s26, s18;
	_ =	swait.ge [sflag:s25], $0x800  }
.Ltmp1:
0x8d: {  	[sflag:s25] =	ssyncset.done $0x0;
	(pc) =	sbr.rel @p0 .LBB2_1-.Ltmp1, $4  }
0x8e: {  	[sflag:s25] =	ssyncadd.s32 $0xFFFFF800  }
0x8f: {  	_ =	swait.ge [sflag:s23], $0x800  }
0x90: {  	[sflag:s23] =	ssyncset.done $0x0  }
0x91: {  	[sflag:s23] =	ssyncadd.s32 $0xFFFFF800  }
0x92: {  	_ =	sfence.sel $0x180000  }
0x93: {  	[bflag:$0x0] =	sbarrier.arrive $0xFFFF  }
0x94: {  	_ =	strace $0x9000004A  }
0x95: {  	s0 =	stileid.u32;
	[bflag:$0x2] =	sbarrier.arrive $0xFFFF  }
0x96: {  	p0 =	sne.s32 s0, $0x0;
	s0 =	rddreg [dreg:$0x2]  }
0x97: {  	s0 =	sadd.s32 @!p0 $0x100000, s0  }
0x98: {  	[sflag:s0] =	ssyncadd.tile.s32 @!p0 $0x1;
	_ =	shalt  }
.Lfunc_end2:
_tile_overlayer_lowered:
.L_overlay_start_2:
0x99: {  	(tag) =	ssettag $0x2  }
0x9a: {  	s0 =	rddreg [dreg:$0x0];
	s2 =	stileid.u32  }
0x9b: {  	s1 =	rddreg [dreg:$0x1];
	p0 =	sne.s32 s2, $0x0  }
0x9c: {  	s3 =	rddreg [dreg:$0x2];
	[bflag:$0x3] =	sbarrier.arrive $0xFFFF;
	s2 =	simm.s32 @!p0 $0x1C05  }
0x9d: {  	[timem:s3], [sflag:s2] =	dma.local @!p0 [hbm:s0], s1  }
0x9e: {  	s0 =	simm.s32 @!p0 $0x5  }
0x9f: {  	_ =	swait.ge @!p0 [sflag:s0], s1  }
0xa0: {  	s1 =	ssub.s32 @!p0 $0x0, s1;
	[sflag:s0] =	ssyncset.done @!p0 $0x0  }
0xa1: {  	[sflag:s0] =	ssyncadd.s32 @!p0 s1  }
0xa2: {  	[bflag:$0x3] =	sbarrier.arrive $0xFFFF  }
0xa3: {  	_ =	shalt  }

// kernel: kernel.14.cloned.1.call-start
scs
__scs_entry_jumppad:
0x0: {  	(pc) =	sbr.rel $0x88, $3  }
0x1: {  	(tag) =	ssettag $0x0;
	lr =	simm.s32 $0x1  }
0x2: {  	[smem:$0x3F9B] =	sst lr;
	_ =	strace $0xD0000000  }
0x3: {  	_ = 	snop  }
0x4: {  	_ = 	snop  }
0x5: {  	_ = 	snop  }
0x6: {  	_ = 	snop  }
0x7: {  	_ = 	snop  }
__scs_overlays_trampoline_lowered:
0x8: {  	[smem:$0x3FAA] =	sst s0  }
0x9: {  	[smem:$0x3FAB] =	sst s1  }
0xa: {  	[smem:$0x3FAC] =	sst s2  }
0xb: {  	[smem:$0x3FAD] =	sst s3  }
0xc: {  	[smem:$0x3FAE] =	sst s4  }
0xd: {  	[smem:$0x3FAF] =	sst s5  }
0xe: {  	[smem:$0x3FB0] =	sst s6  }
0xf: {  	[smem:$0x3FB1] =	sst s7  }
0x10: {  	[smem:$0x3FB2] =	sst s8  }
0x11: {  	[smem:$0x3FB3] =	sst s9;
	s0 =	simm.s32 @!p0 $0x0  }
0x12: {  	s1 =	sld [smem:$0x3F99];
	s0 =	simm.s32 @p0 $0x1  }
0x13: {  	[smem:$0x3FB4] =	sst s0;
	s0 =	simm.s32 @!p1 $0x0  }
0x14: {  	s2 =	sld [smem:$0x3F98];
	s0 =	simm.s32 @p1 $0x1  }
0x15: {  	[smem:$0x3FB5] =	sst s0;
	s0 =	simm.s32 @!p2 $0x0  }
0x16: {  	s3 =	sld [smem:$0x3FDB];
	s0 =	simm.s32 @p2 $0x1  }
0x17: {  	s4 =	simm.s32 $0x1BF5;
	[smem:$0x3FB7] =	sst s0  }
0x18: {  	s0 =	sld [smem:$0x3F9A];
	_ =	swait.ge [sflag:s4], $0x0  }
0x19: {  	s7 =	sld [smem:$0x3F9B]  }
0x1a: {  	s8 =	sadd.s32 $0xFFFFE003, lr  }
0x1b: {  	s9 =	sadd.s32 $0xFFFFFEF7, lr;
	s5 =	simm.s32 $0xFFFFFFFF;
	p2 =	slt.u32 s8, $0xFFFFF086  }
0x1c: {  	p1 =	slt.u32 s9, $0xF7A;
	s5 =	simm.s32 @!p2 $0x0  }
0x1d: {  	s5 =	simm.s32 @p1 $0x1;
	p0 =	seq.s32 s7, s2  }
0x1e: {  	s7 =	smul.u32 @!p0 $0xF7A, s2;
	p2 =	seq.s32 @!p0 s5, $0x0  }
0x1f: {  	s9 =	smul.u32 $0xF7A, s1;
	s8 =	simm.s32 @!p0 $0x1BF5;
	p2 =	por !p2, p0  }
0x20: {  	[sflag:s8] =	ssyncset.s32 @!p0 $0xFFFFF086;
	s6 =	sadd.s32 @!p0 s3, s7;
	s7 =	simm.s32 @!p0 $0x108  }
0x21: {  	s3 =	sadd.s32 s3, s9;
	s6 =	sadd.s32 @!p0 $0x88, s6;
	s7 =	simm.s32 @p2 $0x1082  }
0x22: {  	[simem:s7], [sflag:s8] =	dma.local @!p0 [hbm:s6], $0xF7A  }
0x23: {  	s9 =	sor.u32 $0xD0000000, s2;
	s6 =	simm.s32 $0x108;
	_ =	swait.ge @!p0 [sflag:s8], $0x0  }
0x24: {  	s3 =	sadd.s32 $0x88, s3;
	s6 =	simm.s32 @!p1 $0x1082;
	[sflag:s4] =	ssyncset.s32 $0xFFFFF086  }
0x25: {  	[simem:s6], [sflag:s4] =	dma.local [hbm:s3], $0xF7A  }
0x26: {  	[smem:$0x3F9B] =	sst s1;
	(tag) =	ssettag s2;
	_ =	strace s9  }
0x27: {  	s1 =	sld [smem:$0x3FAB]  }
0x28: {  	s2 =	sld [smem:$0x3FAC]  }
0x29: {  	s4 =	sld [smem:$0x3FAE]  }
0x2a: {  	p0 =	seq.s32 s5, $0x0;
	s5 =	sld [smem:$0x3FAF]  }
0x2b: {  	s6 =	sld [smem:$0x3FB0]  }
0x2c: {  	s7 =	sld [smem:$0x3FB1]  }
0x2d: {  	s3 =	simm.s32 $0x108;
	s8 =	sld [smem:$0x3FB2]  }
0x2e: {  	s3 =	simm.s32 @!p0 $0x1082;
	s9 =	sld [smem:$0x3FB3]  }
0x2f: {  	lr =	sadd.s32 s0, s3;
	s0 =	sld [smem:$0x3FAA]  }
0x30: {  	s3 =	sld [smem:$0x3FAD]  }
0x31: {  	[smem:$0x3FB6] =	sst s10  }
0x32: {  	s10 =	sld [smem:$0x3FB4];
	_ =	sdelay $0x3  }
0x33: {  	p0 =	seq.s32 s10, $0x1;
	s10 =	sld [smem:$0x3FB6];
	_ =	sdelay $0x3  }
0x34: {  	[smem:$0x3FB6] =	sst s10  }
0x35: {  	s10 =	sld [smem:$0x3FB5];
	_ =	sdelay $0x3  }
0x36: {  	p1 =	seq.s32 s10, $0x1;
	s10 =	sld [smem:$0x3FB6];
	_ =	sdelay $0x3  }
0x37: {  	[smem:$0x3FB6] =	sst s10  }
0x38: {  	s10 =	sld [smem:$0x3FB7]  }
0x39: {  	_ = 	snop;
	(pc) =	sbr.ind lr, $3  }
0x3a: {  	_ = 	snop  }
0x3b: {  	_ = 	snop  }
0x3c: {  	p2 =	seq.s32 s10, $0x1;
	s10 =	sld [smem:$0x3FB6]  }
0x3d: {  	_ =	shalt  }
0x3e: {  	_ =	shalt  }
0x3f: {  	_ =	shalt  }
0x40: {  	_ =	shalt  }
0x41: {  	_ =	shalt  }
0x42: {  	_ =	shalt  }
0x43: {  	_ =	shalt  }
0x44: {  	_ =	shalt  }
0x45: {  	_ =	shalt  }
0x46: {  	_ =	shalt  }
0x47: {  	_ =	shalt  }
0x48: {  	_ =	shalt  }
0x49: {  	_ =	shalt  }
0x4a: {  	_ =	shalt  }
0x4b: {  	_ =	shalt  }
0x4c: {  	_ =	shalt  }
0x4d: {  	_ =	shalt  }
0x4e: {  	_ =	shalt  }
0x4f: {  	_ =	shalt  }
0x50: {  	_ =	shalt  }
0x51: {  	_ =	shalt  }
0x52: {  	_ =	shalt  }
0x53: {  	_ =	shalt  }
0x54: {  	_ =	shalt  }
0x55: {  	_ =	shalt  }
0x56: {  	_ =	shalt  }
0x57: {  	_ =	shalt  }
0x58: {  	_ =	shalt  }
0x59: {  	_ =	shalt  }
0x5a: {  	_ =	shalt  }
0x5b: {  	_ =	shalt  }
0x5c: {  	_ =	shalt  }
0x5d: {  	_ =	shalt  }
0x5e: {  	_ =	shalt  }
0x5f: {  	_ =	shalt  }
0x60: {  	_ =	shalt  }
0x61: {  	_ =	shalt  }
0x62: {  	_ =	shalt  }
0x63: {  	_ =	shalt  }
0x64: {  	_ =	shalt  }
0x65: {  	_ =	shalt  }
0x66: {  	_ =	shalt  }
0x67: {  	_ =	shalt  }
0x68: {  	_ =	shalt  }
0x69: {  	_ =	shalt  }
0x6a: {  	_ =	shalt  }
0x6b: {  	_ =	shalt  }
0x6c: {  	_ =	shalt  }
0x6d: {  	_ =	shalt  }
0x6e: {  	_ =	shalt  }
0x6f: {  	_ =	shalt  }
0x70: {  	_ =	shalt  }
0x71: {  	_ =	shalt  }
0x72: {  	_ =	shalt  }
0x73: {  	_ =	shalt  }
0x74: {  	_ =	shalt  }
0x75: {  	_ =	shalt  }
0x76: {  	_ =	shalt  }
0x77: {  	_ =	shalt  }
0x78: {  	_ =	shalt  }
0x79: {  	_ =	shalt  }
0x7a: {  	_ =	shalt  }
0x7b: {  	_ =	shalt  }
0x7c: {  	_ =	shalt  }
0x7d: {  	_ =	shalt  }
0x7e: {  	_ =	shalt  }
0x7f: {  	_ =	shalt  }
0x80: {  	_ =	shalt  }
0x81: {  	_ =	shalt  }
0x82: {  	_ =	shalt  }
0x83: {  	_ =	shalt  }
0x84: {  	_ =	shalt  }
0x85: {  	_ =	shalt  }
0x86: {  	_ =	shalt  }
0x87: {  	_ =	shalt  }
.Lfunc_end0:
.L_simem_size_0:
called_computation.2_lowered:
.L_overlay_start_0:
0x88: {  	s2 =	sld [smem:$0x3FD9]  }
0x89: {  	s3 =	sld [smem:$0x3FFE];
	_ =	sdelay $0x1  }
0x8a: {  	s1 =	srdreg.scid  }
0x8b: {  	s0 =	sand.u32 $0x1, s1  }
0x8c: {  	s16 =	sshll.u32 s0, $0xA;
	s2 =	sadd.s32 s3, s2  }
0x8d: {  	s2 =	sadd.s32 s2, s16  }
0x8e: {  	[smem:$0x3FC2] =	sst s2  }
0x8f: {  	_ = 	snop  }
0x90: {  	(tm) =	ssettm $0x1  }
0x91: {  	s17 =	sld [smem:$0x3FFB];
	_ =	sdelay $0x3  }
0x92: {  	_ =	strace s17  }
0x93: {  	s2 =	sld [smem:$0x3FFC];
	_ =	sdelay $0x3  }
0x94: {  	_ =	strace s2  }
0x95: {  	s2 =	sld [smem:$0x3FFD];
	_ =	sdelay $0x3  }
0x96: {  	_ =	strace s2  }
0x97: {  	_ =	strace $0x8FFFFFFF  }
0x98: {  	s18 =	sld [smem:$0x3FDB];
	_ =	sdelay $0x1  }
0x99: {  	s19 =	simm.s32 $_scs_section_size  }
0x9a: {  	s4 =	simm.s32 $_size__tile_overlayer_lowered;
	s5 =	simm.s32 $_tile_overlayer_lowered  }
0x9b: {  	s22 =	simm.s32 $0x1BFF;
	s21 =	sshll.u32 s5, $0x1;
	s2 =	sadd.s32 s19, s18  }
0x9c: {  	s6 =	simm.s32 $0x0;
	s20 =	sshll.u32 s4, $0x1;
	s4 =	sadd.s32 s21, s2  }
0x9d: {  	[timem:s6], [sflag:s22] =	dma.local [hbm:s4], s20  }
0x9e: {  	_ =	swait.ge [sflag:s22], s20  }
0x9f: {  	s3 =	ssub.s32 $0x0, s20;
	[sflag:s22] =	ssyncset.done $0x0  }
0xa0: {  	[sflag:s22] =	ssyncadd.s32 s3;
	_ =	sdelay $0x1  }
0xa1: {  	s23 =	simm.s32 $0x1B8B  }
0xa2: {  	_ =	swait.ge [sflag:s23], $0x1  }
0xa3: {  	[sflag:s23] =	ssyncset.done $0x0  }
0xa4: {  	s25 =	simm.s32 $0x1B8E;
	s24 =	sld [smem:$0x3FFE];
	[sflag:s23] =	ssyncadd.s32 $0xFFFFFFFF  }
0xa5: {  	s26 =	simm.s32 $execute0_lowered;
	[smem:$0x3FD2] =	sst s25  }
0xa6: {  	s4 =	sshll.u32 s26, $0x1;
	_ =	strace $0x8000004C;
	[dreg:$0x1] =	wrdreg $0xFFFFFFFF  }
0xa7: {  	s28 =	simm.s32 $_size_execute0_lowered;
	s2 =	sadd.s32 s2, s4;
	[dreg:$0x0] =	wrdreg $0x0  }
0xa8: {  	s4 =	sshll.u32 s28, $0x1;
	[dreg:$0x2] =	wrdreg s2  }
0xa9: {  	[dreg:$0x3] =	wrdreg s4  }
0xaa: {  	[dreg:$0x4] =	wrdreg $0xC0  }
0xab: {  	_ =	task [dreg:s6], $0x5FFFF  }
0xac: {  	[dreg:$0x1] =	wrdreg $0xFFFFFFFF  }
0xad: {  	[dreg:$0x0] =	wrdreg $0x60  }
0xae: {  	[dreg:$0x2] =	wrdreg s24  }
0xaf: {  	[dreg:$0x3] =	wrdreg $0xA2800  }
0xb0: {  	[dreg:$0x4] =	wrdreg $0x9  }
0xb1: {  	_ =	task.clear_ibuf [dreg:s6], $0x5FFFF;
	_ =	strace $0x9000004C  }
0xb2: {  	s29 =	simm.s32 $0x9;
	_ =	strace $0x8000004E  }
0xb3: {  	_ =	swait.ge [sflag:s29], $0x1  }
0xb4: {  	[sflag:s29] =	ssyncadd.s32 $0xFFFFFFFF  }
0xb5: {  	_ =	strace $0x9000004E  }
0xb6: {  	_ =	sfence  }
0xb7: {  	s30 =	sld [smem:$0x0];
	_ =	sdelay $0x2  }
0xb8: {  	s31 =	sshll.u32 s1, $0xD;
	s1 =	sshrl.u32 s1, $0x2  }
0xb9: {  	s3 =	sand.u32 $0x4000, s31;
	s1 =	sadd.s32 s1, s30  }
0xba: {  	s0 =	sor.u32 s3, s0;
	s1 =	sshll.u32 s1, $0x11  }
0xbb: {  	s0 =	sor.u32 s1, s0  }
0xbc: {  	s0 =	sadd.s32 $0x8F2B, s0  }
0xbd: {  	[sflag:s0] =	ssyncadd.remote.s32 $0x1  }
0xbe: {  	_ =	sfence.sel $0xFFFF  }
0xbf: {  	[dreg:$0x0] =	wrdreg $0xFFFFFFFF;
	(pc) =	sbr.abs _section_cstart, $3  }
0xc0: {  	[dreg:$0x1] =	wrdreg $0xFFFFFFFF  }
0xc1: {  	_ =	task.clear_ibuf [dreg:s6], $0x2FFFF;
	_ =	strace $0x9FFFFFFF  }
0xc2: {  	(tm) =	ssettm $0x7FFFFFFF  }
0xc3: {  	_ =	shalt  }
tec
execute0_lowered:
.L_overlay_start_1:
0x0: {  	(tag) =	ssettag $0x1  }
0x1: {  	s0 =	srdreg.scid;
	s5 =	rddreg [dreg:$0x0]  }
0x2: {  	s8 =	rddreg [dreg:$0x1];
	s1 =	stileid.u32  }
0x3: {  	s2 =	simm.s32 $0x0;
	s13 =	simm.s32 $0x5000;
	s14 =	simm.s32 $0x1  }
0x4: {  	s15 =	simm.s32 $0x2;
	s16 =	simm.s32 $0x3;
	s17 =	simm.s32 $0x4  }
0x5: {  	s18 =	simm.s32 $0x80;
	s19 =	simm.s32 $0x400;
	s20 =	simm.s32 $0x5  }
0x6: {  	s21 =	simm.s32 $0x14000;
	s22 =	simm.s32 $0x7800;
	s23 =	simm.s32 $0x100  }
0x7: {  	s24 =	simm.s32 $0xA000;
	s4 =	sand.u32 $0x1, s0;
	s0 =	rddreg [dreg:$0x2]  }
0x8: {  	[smem:$0x7FF] =	sst s2;
	s7 =	smul.u32 $0x500, s1;
	s26 =	sshrl.u32 s1, $0x3  }
0x9: {  	s28 =	sshll.u32 s1, $0x7;
	s30 =	smul.u32 $0x5000, s1;
	s3 =	sshll.u32 s4, $0x4  }
0xa: {  	_ =	strace $0x8000004D;
	s9 =	sshll.u32 s4, $0x7;
	s25 =	ssub.s32 $0x2, s4  }
0xb: {  	s11 =	smul.u32 $0x50000, s26;
	s4 =	sadd.s32 $0xAA00, s5;
	s3 =	sor.u32 s1, s3  }
0xc: {  	s7 =	sor.u32 s9, s7;
	s10 =	sshrl.u32 s25, $0x1;
	s31 =	sshrl.u32 s30, $0x2  }
0xd: {  	s6 =	smul.u32 $0x280, s3;
	s3 =	sadd.s32 $0xB000, s5;
	s7 =	sshrl.u32 s7, $0x3  }
0xe: {  	s10 =	ssub.s32 s25, s10;
	s29 =	sshrl.u32 s11, $0x2;
	s11 =	simm.s32 $0x2800  }
0xf: {  	s25 =	simm.s32 $0x0;
	s12 =	sadd.s32 s7, s5;
	s7 =	sand.u32 $0x380, s28  }
0x10: {  	s9 =	sadd.s32 s29, s8;
	s8 =	sadd.s32 s31, s8;
	s10 =	smax.u32 s10, $0x1  }
0x11: {  	s6 =	sadd.s32 s6, s5;
	s7 =	sadd.s32 s7, s9;
	s9 =	sadd.s32 $0xB600, s12  }
0x12: {  	s12 =	simm.s32 $0x1400;
	s5 =	sadd.s32 $0xA00, s6;
	s6 =	sadd.s32 $0x5A00, s6  }
.LBB2_1:
0x13: {  	[tilespmem:s11], [sflag:$0x1] =	stream.linear.gather [hbm4b:s3+s2], $0x2800, $0x38;
	[tilespmem:$0xCA80] =	vst v63  }
0x14: {  	_ = 	snop  }
0x15: {  	[tilespmem:s2], [sflag:$0x2] =	stream.linear.gather [hbm4b:s5+s2], $0x1400, $0x38;
	[tilespmem:$0xCA80] =	vst v63  }
0x16: {  	_ = 	snop  }
0x17: {  	[tilespmem:s12], [sflag:$0x3] =	stream.linear.gather [hbm4b:s6+s2], $0x1400, $0x38;
	[tilespmem:$0xCA80] =	vst v63  }
0x18: {  	_ = 	snop  }
0x19: {  	[tilespmem:s13], [sflag:$0x4] =	stream.linear.gather [hbm4b:s4+s2], $0x2800, $0x38;
	[tilespmem:$0xCA80] =	vst v63  }
0x1a: {  	_ =	swait.ge [sflag:s14], $0x2800  }
0x1b: {  	[sflag:s14] =	ssyncset.done $0x0  }
0x1c: {  	[sflag:s14] =	ssyncadd.s32 $0xFFFFD800  }
0x1d: {  	_ =	swait.ge [sflag:s15], $0x1400  }
0x1e: {  	[sflag:s15] =	ssyncset.done $0x0  }
0x1f: {  	[sflag:s15] =	ssyncadd.s32 $0xFFFFEC00  }
0x20: {  	_ =	swait.ge [sflag:s16], $0x1400  }
0x21: {  	[sflag:s16] =	ssyncset.done $0x0  }
0x22: {  	[sflag:s16] =	ssyncadd.s32 $0xFFFFEC00  }
0x23: {  	_ =	swait.ge [sflag:s17], $0x2800  }
0x24: {  	[sflag:s17] =	ssyncset.done $0x0  }
0x25: {  	s26 =	simm.s32 $0x0;
	[sflag:s17] =	ssyncadd.s32 $0xFFFFD800  }
.LBB2_2:
0x26: {  	s28 =	sshra.s32 s26, $0x2  }
0x27: {  	v0 =	vld [tilespmem:s28+$0x0];
	_ =	sdelay $0x4  }
0x28: {  	v1 =	vld [tilespmem:s28+$0x1400];
	_ =	sdelay $0x2  }
0x29: {  	v0 =	vld.idx.msk [tilespmem:v0+s11+$0x0], $0xffff;
	_ =	sdelay $0x4  }
0x2a: {  	[tilespmem:v1+s13+$0x0] =	vst.idx.add.f32.msk $0xffff, v0  }
0x2b: {  	v0 =	vld [tilespmem:s28+$0x10];
	_ =	sdelay $0x4  }
0x2c: {  	v1 =	vld [tilespmem:s28+$0x1410];
	_ =	sdelay $0x2  }
0x2d: {  	v0 =	vld.idx.msk [tilespmem:v0+s11+$0x0], $0xffff;
	_ =	sdelay $0x4  }
0x2e: {  	[tilespmem:v1+s13+$0x0] =	vst.idx.add.f32.msk $0xffff, v0  }
0x2f: {  	v0 =	vld [tilespmem:s28+$0x20];
	_ =	sdelay $0x4  }
0x30: {  	v1 =	vld [tilespmem:s28+$0x1420];
	_ =	sdelay $0x2  }
0x31: {  	v0 =	vld.idx.msk [tilespmem:v0+s11+$0x0], $0xffff;
	_ =	sdelay $0x4  }
0x32: {  	[tilespmem:v1+s13+$0x0] =	vst.idx.add.f32.msk $0xffff, v0  }
0x33: {  	v0 =	vld [tilespmem:s28+$0x30];
	_ =	sdelay $0x4  }
0x34: {  	v1 =	vld [tilespmem:s28+$0x1430];
	_ =	sdelay $0x2  }
0x35: {  	v0 =	vld.idx.msk [tilespmem:v0+s11+$0x0], $0xffff;
	_ =	sdelay $0x4  }
0x36: {  	[tilespmem:v1+s13+$0x0] =	vst.idx.add.f32.msk $0xffff, v0  }
0x37: {  	v0 =	vld [tilespmem:s28+$0x40];
	_ =	sdelay $0x4  }
0x38: {  	v1 =	vld [tilespmem:s28+$0x1440];
	_ =	sdelay $0x2  }
0x39: {  	v0 =	vld.idx.msk [tilespmem:v0+s11+$0x0], $0xffff;
	_ =	sdelay $0x4  }
0x3a: {  	[tilespmem:v1+s13+$0x0] =	vst.idx.add.f32.msk $0xffff, v0  }
0x3b: {  	v0 =	vld [tilespmem:s28+$0x50];
	_ =	sdelay $0x4  }
0x3c: {  	v1 =	vld [tilespmem:s28+$0x1450];
	_ =	sdelay $0x2  }
0x3d: {  	v0 =	vld.idx.msk [tilespmem:v0+s11+$0x0], $0xffff;
	_ =	sdelay $0x4  }
0x3e: {  	[tilespmem:v1+s13+$0x0] =	vst.idx.add.f32.msk $0xffff, v0  }
0x3f: {  	v0 =	vld [tilespmem:s28+$0x60];
	_ =	sdelay $0x4  }
0x40: {  	v1 =	vld [tilespmem:s28+$0x1460];
	_ =	sdelay $0x2  }
0x41: {  	v0 =	vld.idx.msk [tilespmem:v0+s11+$0x0], $0xffff;
	_ =	sdelay $0x4  }
0x42: {  	[tilespmem:v1+s13+$0x0] =	vst.idx.add.f32.msk $0xffff, v0  }
0x43: {  	v0 =	vld [tilespmem:s28+$0x70];
	_ =	sdelay $0x4  }
0x44: {  	v1 =	vld [tilespmem:s28+$0x1470];
	_ =	sdelay $0x2  }
0x45: {  	p0 =	sne.s32 s26, $0x4E00;
	v0 =	vld.idx.msk [tilespmem:v0+s11+$0x0], $0xffff  }
.Ltmp0:
0x46: {  	_ = 	snop;
	(pc) =	sbr.rel @p0 .LBB2_2-.Ltmp0, $2  }
0x47: {  	_ =	sdelay $0x2  }
0x48: {  	s26 =	sadd.s32 $0x200, s26;
	[tilespmem:v1+s13+$0x0] =	vst.idx.add.f32.msk $0xffff, v0  }
0x49: {  	[spmem:s7] =	stream.strided.scatter [tilespmem:s13], [sflag:$0x5], $0x2800, s19, s18, $0x38;
	[tilespmem:$0xCA80] =	vst v63  }
0x4a: {  	_ =	swait.ge [sflag:s20], $0x2800  }
0x4b: {  	[sflag:s20] =	ssyncset.done $0x0  }
0x4c: {  	[sflag:s20] =	ssyncadd.s32 $0xFFFFD800  }
0x4d: {  	[bflag:$0x0] =	sbarrier.arrive $0xFFFF  }
0x4e: {  	[tilespmem:s22], [sflag:$0x5] =	stream.strided.gather [spmem:s8], $0x2800, s21, s12, $0x38;
	[tilespmem:$0xCA80] =	vst v63  }
0x4f: {  	s26 =	simm.s32 $0x0;
	_ =	swait.ge [sflag:s20], $0x2800  }
0x50: {  	s28 =	sand.u32 $0x70, s26;
	s26 =	sand.u32 $0x1C00, s26;
	[sflag:s20] =	ssyncset.done $0x0  }
0x51: {  	s26 =	sor.u32 s28, s26;
	[sflag:s20] =	ssyncadd.s32 $0xFFFFD800  }
0x52: {  	v0 =	vld [tilespmem:s26+$0x7880]  }
0x53: {  	v1 =	vld [tilespmem:s26+$0x7800];
	_ =	sdelay $0x1  }
0x54: {  	v2 =	vld [tilespmem:s26+$0x7900];
	_ =	sdelay $0x1  }
0x55: {  	v3 =	vld [tilespmem:s26+$0x7980]  }
0x56: {  	v0 =	vadd.f32 v0, v1  }
0x57: {  	v52 =	vld [tilespmem:s26+$0x7A00]  }
0x58: {  	v0 =	vadd.f32 v2, v0  }
0x59: {  	v53 =	vld [tilespmem:s26+$0x7A80]  }
0x5a: {  	v0 =	vadd.f32 v3, v0  }
0x5b: {  	v54 =	vld [tilespmem:s26+$0x7B00]  }
0x5c: {  	v0 =	vadd.f32 v52, v0  }
0x5d: {  	v55 =	vld [tilespmem:s26+$0x7B80]  }
0x5e: {  	v0 =	vadd.f32 v53, v0  }
0x5f: {  	v56 =	vld [tilespmem:s26+$0x8C00]  }
0x60: {  	v0 =	vadd.f32 v54, v0  }
0x61: {  	v57 =	vld [tilespmem:s26+$0x8C80]  }
0x62: {  	v0 =	vadd.f32 v55, v0  }
0x63: {  	v58 =	vld [tilespmem:s26+$0x8D00]  }
0x64: {  	v0 =	vadd.f32 v56, v0  }
0x65: {  	v59 =	vld [tilespmem:s26+$0x8D80]  }
0x66: {  	v0 =	vadd.f32 v57, v0  }
0x67: {  	v60 =	vld [tilespmem:s26+$0x8E00]  }
0x68: {  	v0 =	vadd.f32 v58, v0  }
0x69: {  	v61 =	vld [tilespmem:s26+$0x8E80]  }
0x6a: {  	v0 =	vadd.f32 v59, v0  }
0x6b: {  	v62 =	vld [tilespmem:s26+$0x8F00]  }
0x6c: {  	v0 =	vadd.f32 v60, v0  }
0x6d: {  	v63 =	vld [tilespmem:s26+$0x8F80]  }
0x6e: {  	v0 =	vadd.f32 v61, v0;
	_ =	sdelay $0x1  }
0x6f: {  	v0 =	vadd.f32 v62, v0;
	_ =	sdelay $0x1  }
0x70: {  	s29 =	simm.s32 $0x80;
	s28 =	simm.s32 $0x10;
	v0 =	vadd.f32 v63, v0  }
0x71: {  	s30 =	sand.u32 $0x1C00, s29;
	s28 =	sand.u32 $0x70, s28;
	s26 =	simm.s32 $0xA000  }
0x72: {  	s28 =	sor.u32 s28, s30;
	s30 =	simm.s32 $0x20;
	[tilespmem:s26+$0x0] =	vst v0  }
.LBB2_4:
0x73: {  	p0 =	sne.s32 s30, $0x270;
	v0 =	vld [tilespmem:s28+$0x7880]  }
0x74: {  	v1 =	vld [tilespmem:s28+$0x7800];
	_ =	sdelay $0x1  }
0x75: {  	v2 =	vld [tilespmem:s28+$0x7900];
	_ =	sdelay $0x1  }
0x76: {  	v3 =	vld [tilespmem:s28+$0x7980]  }
0x77: {  	v0 =	vadd.f32 v0, v1  }
0x78: {  	v1 =	vld [tilespmem:s28+$0x7A00]  }
0x79: {  	v0 =	vadd.f32 v2, v0  }
0x7a: {  	v2 =	vld [tilespmem:s28+$0x7A80]  }
0x7b: {  	v0 =	vadd.f32 v3, v0  }
0x7c: {  	v3 =	vld [tilespmem:s28+$0x7B00]  }
0x7d: {  	v0 =	vadd.f32 v1, v0  }
0x7e: {  	v1 =	vld [tilespmem:s28+$0x7B80]  }
0x7f: {  	v0 =	vadd.f32 v2, v0  }
0x80: {  	v2 =	vld [tilespmem:s28+$0x8C00]  }
0x81: {  	v0 =	vadd.f32 v3, v0  }
0x82: {  	v3 =	vld [tilespmem:s28+$0x8C80]  }
0x83: {  	v0 =	vadd.f32 v1, v0  }
0x84: {  	v1 =	vld [tilespmem:s28+$0x8D00]  }
0x85: {  	v0 =	vadd.f32 v2, v0  }
0x86: {  	v2 =	vld [tilespmem:s28+$0x8D80]  }
0x87: {  	v0 =	vadd.f32 v3, v0  }
0x88: {  	v3 =	vld [tilespmem:s28+$0x8E00]  }
0x89: {  	v0 =	vadd.f32 v1, v0  }
0x8a: {  	v1 =	vld [tilespmem:s28+$0x8E80]  }
0x8b: {  	v0 =	vadd.f32 v2, v0  }
0x8c: {  	v2 =	vld [tilespmem:s28+$0x8F00]  }
0x8d: {  	v0 =	vadd.f32 v3, v0  }
0x8e: {  	v3 =	vld [tilespmem:s28+$0x8F80]  }
0x8f: {  	v0 =	vadd.f32 v1, v0;
	_ =	sdelay $0x1  }
.Ltmp1:
0x90: {  	v0 =	vadd.f32 v2, v0;
	(pc) =	sbr.rel @p0 .LBB2_4-.Ltmp1, $4  }
0x91: {  	_ = 	snop  }
0x92: {  	s29 =	sadd.s32 $0x80, s29;
	v0 =	vadd.f32 v3, v0  }
0x93: {  	s26 =	sadd.s32 $0x10, s26;
	s31 =	sand.u32 $0x1C00, s29;
	s28 =	sand.u32 $0x70, s30  }
0x94: {  	s30 =	sadd.s32 $0x10, s30;
	s28 =	sor.u32 s28, s31;
	[tilespmem:s26+$0x0] =	vst v0  }
0x95: {  	v0 =	vld [tilespmem:s28+$0x7880]  }
0x96: {  	v1 =	vld [tilespmem:s28+$0x7800];
	_ =	sdelay $0x1  }
0x97: {  	v2 =	vld [tilespmem:s28+$0x7900];
	_ =	sdelay $0x1  }
0x98: {  	v3 =	vld [tilespmem:s28+$0x7980]  }
0x99: {  	v0 =	vadd.f32 v0, v1  }
0x9a: {  	v52 =	vld [tilespmem:s28+$0x7A00]  }
0x9b: {  	v0 =	vadd.f32 v2, v0  }
0x9c: {  	v53 =	vld [tilespmem:s28+$0x7A80]  }
0x9d: {  	v0 =	vadd.f32 v3, v0  }
0x9e: {  	v54 =	vld [tilespmem:s28+$0x7B00]  }
0x9f: {  	v0 =	vadd.f32 v52, v0  }
0xa0: {  	v55 =	vld [tilespmem:s28+$0x7B80]  }
0xa1: {  	v0 =	vadd.f32 v53, v0  }
0xa2: {  	v56 =	vld [tilespmem:s28+$0x8C00]  }
0xa3: {  	v0 =	vadd.f32 v54, v0  }
0xa4: {  	v57 =	vld [tilespmem:s28+$0x8C80]  }
0xa5: {  	v0 =	vadd.f32 v55, v0  }
0xa6: {  	v58 =	vld [tilespmem:s28+$0x8D00]  }
0xa7: {  	v0 =	vadd.f32 v56, v0  }
0xa8: {  	v59 =	vld [tilespmem:s28+$0x8D80]  }
0xa9: {  	v0 =	vadd.f32 v57, v0  }
0xaa: {  	v60 =	vld [tilespmem:s28+$0x8E00]  }
0xab: {  	v0 =	vadd.f32 v58, v0  }
0xac: {  	v61 =	vld [tilespmem:s28+$0x8E80]  }
0xad: {  	v0 =	vadd.f32 v59, v0  }
0xae: {  	v62 =	vld [tilespmem:s28+$0x8F00]  }
0xaf: {  	v0 =	vadd.f32 v60, v0  }
0xb0: {  	v63 =	vld [tilespmem:s28+$0x8F80]  }
0xb1: {  	v0 =	vadd.f32 v61, v0;
	_ =	sdelay $0x1  }
0xb2: {  	v0 =	vadd.f32 v62, v0;
	_ =	sdelay $0x1  }
0xb3: {  	s25 =	sadd.s32 $0x1, s25;
	v0 =	vadd.f32 v63, v0  }
0xb4: {  	s26 =	sadd.s32 $0x10, s26;
	p0 =	sne.s32 s25, s10  }
.Ltmp2:
0xb5: {  	[tilespmem:s26+$0x0] =	vst v0;
	(pc) =	sbr.rel @p0 .LBB2_1-.Ltmp2, $4  }
0xb6: {  	[hbm4b:s9+s18] =	stream.strided.scatter [tilespmem:s24], [sflag:$0x5], $0x280, s23, s18, $0x38;
	[tilespmem:$0xCA80] =	vst v63  }
0xb7: {  	_ =	swait.ge [sflag:s20], $0x280  }
0xb8: {  	[sflag:s20] =	ssyncset.done $0x0  }
0xb9: {  	[sflag:s20] =	ssyncadd.s32 $0xFFFFFD80  }
0xba: {  	_ =	sfence.sel $0x180000  }
0xbb: {  	[bflag:$0x0] =	sbarrier.arrive $0xFFFF  }
0xbc: {  	p0 =	sne.s32 s1, $0x0;
	_ =	strace $0x9000004D  }
0xbd: {  	s0 =	sadd.s32 @!p0 $0x100000, s0;
	[bflag:$0x2] =	sbarrier.arrive $0xFFFF  }
0xbe: {  	[sflag:s0] =	ssyncadd.tile.s32 @!p0 $0x1;
	_ =	shalt  }
.Lfunc_end2:
_tile_overlayer_lowered:
.L_overlay_start_2:
0xbf: {  	(tag) =	ssettag $0x2  }
0xc0: {  	s0 =	rddreg [dreg:$0x0];
	s2 =	stileid.u32  }
0xc1: {  	s1 =	rddreg [dreg:$0x1];
	p0 =	sne.s32 s2, $0x0  }
0xc2: {  	s3 =	rddreg [dreg:$0x2];
	[bflag:$0x3] =	sbarrier.arrive $0xFFFF;
	s2 =	simm.s32 @!p0 $0x1C05  }
0xc3: {  	[timem:s3], [sflag:s2] =	dma.local @!p0 [hbm:s0], s1  }
0xc4: {  	s0 =	simm.s32 @!p0 $0x5  }
0xc5: {  	_ =	swait.ge @!p0 [sflag:s0], s1  }
0xc6: {  	s1 =	ssub.s32 @!p0 $0x0, s1;
	[sflag:s0] =	ssyncset.done @!p0 $0x0  }
0xc7: {  	[sflag:s0] =	ssyncadd.s32 @!p0 s1  }
0xc8: {  	[bflag:$0x3] =	sbarrier.arrive $0xFFFF  }
0xc9: {  	_ =	shalt  }

// kernel: kernel.8.cloned.1.call-start
scs
__scs_entry_jumppad:
0x0: {  	(pc) =	sbr.rel $0x88, $3  }
0x1: {  	(tag) =	ssettag $0x0;
	lr =	simm.s32 $0x1  }
0x2: {  	[smem:$0x3F9B] =	sst lr;
	_ =	strace $0xD0000000  }
0x3: {  	_ = 	snop  }
0x4: {  	_ = 	snop  }
0x5: {  	_ = 	snop  }
0x6: {  	_ = 	snop  }
0x7: {  	_ = 	snop  }
__scs_overlays_trampoline_lowered:
0x8: {  	[smem:$0x3FAA] =	sst s0  }
0x9: {  	[smem:$0x3FAB] =	sst s1  }
0xa: {  	[smem:$0x3FAC] =	sst s2  }
0xb: {  	[smem:$0x3FAD] =	sst s3  }
0xc: {  	[smem:$0x3FAE] =	sst s4  }
0xd: {  	[smem:$0x3FAF] =	sst s5  }
0xe: {  	[smem:$0x3FB0] =	sst s6  }
0xf: {  	[smem:$0x3FB1] =	sst s7  }
0x10: {  	[smem:$0x3FB2] =	sst s8  }
0x11: {  	[smem:$0x3FB3] =	sst s9;
	s0 =	simm.s32 @!p0 $0x0  }
0x12: {  	s1 =	sld [smem:$0x3F99];
	s0 =	simm.s32 @p0 $0x1  }
0x13: {  	[smem:$0x3FB4] =	sst s0;
	s0 =	simm.s32 @!p1 $0x0  }
0x14: {  	s2 =	sld [smem:$0x3F98];
	s0 =	simm.s32 @p1 $0x1  }
0x15: {  	[smem:$0x3FB5] =	sst s0;
	s0 =	simm.s32 @!p2 $0x0  }
0x16: {  	s3 =	sld [smem:$0x3FDB];
	s0 =	simm.s32 @p2 $0x1  }
0x17: {  	s4 =	simm.s32 $0x1BF5;
	[smem:$0x3FB7] =	sst s0  }
0x18: {  	s0 =	sld [smem:$0x3F9A];
	_ =	swait.ge [sflag:s4], $0x0  }
0x19: {  	s7 =	sld [smem:$0x3F9B]  }
0x1a: {  	s8 =	sadd.s32 $0xFFFFE003, lr  }
0x1b: {  	s9 =	sadd.s32 $0xFFFFFEF7, lr;
	s5 =	simm.s32 $0xFFFFFFFF;
	p2 =	slt.u32 s8, $0xFFFFF086  }
0x1c: {  	p1 =	slt.u32 s9, $0xF7A;
	s5 =	simm.s32 @!p2 $0x0  }
0x1d: {  	s5 =	simm.s32 @p1 $0x1;
	p0 =	seq.s32 s7, s2  }
0x1e: {  	s7 =	smul.u32 @!p0 $0xF7A, s2;
	p2 =	seq.s32 @!p0 s5, $0x0  }
0x1f: {  	s9 =	smul.u32 $0xF7A, s1;
	s8 =	simm.s32 @!p0 $0x1BF5;
	p2 =	por !p2, p0  }
0x20: {  	[sflag:s8] =	ssyncset.s32 @!p0 $0xFFFFF086;
	s6 =	sadd.s32 @!p0 s3, s7;
	s7 =	simm.s32 @!p0 $0x108  }
0x21: {  	s3 =	sadd.s32 s3, s9;
	s6 =	sadd.s32 @!p0 $0x88, s6;
	s7 =	simm.s32 @p2 $0x1082  }
0x22: {  	[simem:s7], [sflag:s8] =	dma.local @!p0 [hbm:s6], $0xF7A  }
0x23: {  	s9 =	sor.u32 $0xD0000000, s2;
	s6 =	simm.s32 $0x108;
	_ =	swait.ge @!p0 [sflag:s8], $0x0  }
0x24: {  	s3 =	sadd.s32 $0x88, s3;
	s6 =	simm.s32 @!p1 $0x1082;
	[sflag:s4] =	ssyncset.s32 $0xFFFFF086  }
0x25: {  	[simem:s6], [sflag:s4] =	dma.local [hbm:s3], $0xF7A  }
0x26: {  	[smem:$0x3F9B] =	sst s1;
	(tag) =	ssettag s2;
	_ =	strace s9  }
0x27: {  	s1 =	sld [smem:$0x3FAB]  }
0x28: {  	s2 =	sld [smem:$0x3FAC]  }
0x29: {  	s4 =	sld [smem:$0x3FAE]  }
0x2a: {  	p0 =	seq.s32 s5, $0x0;
	s5 =	sld [smem:$0x3FAF]  }
0x2b: {  	s6 =	sld [smem:$0x3FB0]  }
0x2c: {  	s7 =	sld [smem:$0x3FB1]  }
0x2d: {  	s3 =	simm.s32 $0x108;
	s8 =	sld [smem:$0x3FB2]  }
0x2e: {  	s3 =	simm.s32 @!p0 $0x1082;
	s9 =	sld [smem:$0x3FB3]  }
0x2f: {  	lr =	sadd.s32 s0, s3;
	s0 =	sld [smem:$0x3FAA]  }
0x30: {  	s3 =	sld [smem:$0x3FAD]  }
0x31: {  	[smem:$0x3FB6] =	sst s10  }
0x32: {  	s10 =	sld [smem:$0x3FB4];
	_ =	sdelay $0x3  }
0x33: {  	p0 =	seq.s32 s10, $0x1;
	s10 =	sld [smem:$0x3FB6];
	_ =	sdelay $0x3  }
0x34: {  	[smem:$0x3FB6] =	sst s10  }
0x35: {  	s10 =	sld [smem:$0x3FB5];
	_ =	sdelay $0x3  }
0x36: {  	p1 =	seq.s32 s10, $0x1;
	s10 =	sld [smem:$0x3FB6];
	_ =	sdelay $0x3  }
0x37: {  	[smem:$0x3FB6] =	sst s10  }
0x38: {  	s10 =	sld [smem:$0x3FB7]  }
0x39: {  	_ = 	snop;
	(pc) =	sbr.ind lr, $3  }
0x3a: {  	_ = 	snop  }
0x3b: {  	_ = 	snop  }
0x3c: {  	p2 =	seq.s32 s10, $0x1;
	s10 =	sld [smem:$0x3FB6]  }
0x3d: {  	_ =	shalt  }
0x3e: {  	_ =	shalt  }
0x3f: {  	_ =	shalt  }
0x40: {  	_ =	shalt  }
0x41: {  	_ =	shalt  }
0x42: {  	_ =	shalt  }
0x43: {  	_ =	shalt  }
0x44: {  	_ =	shalt  }
0x45: {  	_ =	shalt  }
0x46: {  	_ =	shalt  }
0x47: {  	_ =	shalt  }
0x48: {  	_ =	shalt  }
0x49: {  	_ =	shalt  }
0x4a: {  	_ =	shalt  }
0x4b: {  	_ =	shalt  }
0x4c: {  	_ =	shalt  }
0x4d: {  	_ =	shalt  }
0x4e: {  	_ =	shalt  }
0x4f: {  	_ =	shalt  }
0x50: {  	_ =	shalt  }
0x51: {  	_ =	shalt  }
0x52: {  	_ =	shalt  }
0x53: {  	_ =	shalt  }
0x54: {  	_ =	shalt  }
0x55: {  	_ =	shalt  }
0x56: {  	_ =	shalt  }
0x57: {  	_ =	shalt  }
0x58: {  	_ =	shalt  }
0x59: {  	_ =	shalt  }
0x5a: {  	_ =	shalt  }
0x5b: {  	_ =	shalt  }
0x5c: {  	_ =	shalt  }
0x5d: {  	_ =	shalt  }
0x5e: {  	_ =	shalt  }
0x5f: {  	_ =	shalt  }
0x60: {  	_ =	shalt  }
0x61: {  	_ =	shalt  }
0x62: {  	_ =	shalt  }
0x63: {  	_ =	shalt  }
0x64: {  	_ =	shalt  }
0x65: {  	_ =	shalt  }
0x66: {  	_ =	shalt  }
0x67: {  	_ =	shalt  }
0x68: {  	_ =	shalt  }
0x69: {  	_ =	shalt  }
0x6a: {  	_ =	shalt  }
0x6b: {  	_ =	shalt  }
0x6c: {  	_ =	shalt  }
0x6d: {  	_ =	shalt  }
0x6e: {  	_ =	shalt  }
0x6f: {  	_ =	shalt  }
0x70: {  	_ =	shalt  }
0x71: {  	_ =	shalt  }
0x72: {  	_ =	shalt  }
0x73: {  	_ =	shalt  }
0x74: {  	_ =	shalt  }
0x75: {  	_ =	shalt  }
0x76: {  	_ =	shalt  }
0x77: {  	_ =	shalt  }
0x78: {  	_ =	shalt  }
0x79: {  	_ =	shalt  }
0x7a: {  	_ =	shalt  }
0x7b: {  	_ =	shalt  }
0x7c: {  	_ =	shalt  }
0x7d: {  	_ =	shalt  }
0x7e: {  	_ =	shalt  }
0x7f: {  	_ =	shalt  }
0x80: {  	_ =	shalt  }
0x81: {  	_ =	shalt  }
0x82: {  	_ =	shalt  }
0x83: {  	_ =	shalt  }
0x84: {  	_ =	shalt  }
0x85: {  	_ =	shalt  }
0x86: {  	_ =	shalt  }
0x87: {  	_ =	shalt  }
.Lfunc_end0:
.L_simem_size_0:
called_computation_lowered:
.L_overlay_start_0:
0x88: {  	s2 =	sld [smem:$0x3FD9]  }
0x89: {  	s3 =	sld [smem:$0x3FFE];
	_ =	sdelay $0x1  }
0x8a: {  	s1 =	srdreg.scid  }
0x8b: {  	s0 =	sand.u32 $0x1, s1  }
0x8c: {  	s16 =	sshll.u32 s0, $0xA;
	s2 =	sadd.s32 s3, s2  }
0x8d: {  	s2 =	sadd.s32 s2, s16  }
0x8e: {  	[smem:$0x3FC2] =	sst s2  }
0x8f: {  	_ = 	snop  }
0x90: {  	(tm) =	ssettm $0x1  }
0x91: {  	s17 =	sld [smem:$0x3FFB];
	_ =	sdelay $0x3  }
0x92: {  	_ =	strace s17  }
0x93: {  	s2 =	sld [smem:$0x3FFC];
	_ =	sdelay $0x3  }
0x94: {  	_ =	strace s2  }
0x95: {  	s2 =	sld [smem:$0x3FFD];
	_ =	sdelay $0x3  }
0x96: {  	_ =	strace s2  }
0x97: {  	_ =	strace $0x8FFFFFFF  }
0x98: {  	s18 =	sld [smem:$0x3FDB];
	_ =	sdelay $0x1  }
0x99: {  	s19 =	simm.s32 $_scs_section_size  }
0x9a: {  	s4 =	simm.s32 $_size__tile_overlayer_lowered;
	s5 =	simm.s32 $_tile_overlayer_lowered  }
0x9b: {  	s22 =	simm.s32 $0x1BFF;
	s21 =	sshll.u32 s5, $0x1;
	s2 =	sadd.s32 s19, s18  }
0x9c: {  	s6 =	simm.s32 $0x0;
	s20 =	sshll.u32 s4, $0x1;
	s4 =	sadd.s32 s21, s2  }
0x9d: {  	[timem:s6], [sflag:s22] =	dma.local [hbm:s4], s20  }
0x9e: {  	_ =	swait.ge [sflag:s22], s20  }
0x9f: {  	s3 =	ssub.s32 $0x0, s20;
	[sflag:s22] =	ssyncset.done $0x0  }
0xa0: {  	[sflag:s22] =	ssyncadd.s32 s3;
	_ =	sdelay $0x1  }
0xa1: {  	s23 =	simm.s32 $0x1B8B  }
0xa2: {  	_ =	swait.ge [sflag:s23], $0x1  }
0xa3: {  	[sflag:s23] =	ssyncset.done $0x0  }
0xa4: {  	s25 =	simm.s32 $0x1B8E;
	s24 =	sld [smem:$0x3FFE];
	[sflag:s23] =	ssyncadd.s32 $0xFFFFFFFF  }
0xa5: {  	s26 =	simm.s32 $execute0_lowered;
	[smem:$0x3FD2] =	sst s25  }
0xa6: {  	s4 =	sshll.u32 s26, $0x1;
	_ =	strace $0x80000046;
	[dreg:$0x1] =	wrdreg $0xFFFFFFFF  }
0xa7: {  	s28 =	simm.s32 $_size_execute0_lowered;
	s2 =	sadd.s32 s2, s4;
	[dreg:$0x0] =	wrdreg $0x0  }
0xa8: {  	s4 =	sshll.u32 s28, $0x1;
	[dreg:$0x2] =	wrdreg s2  }
0xa9: {  	[dreg:$0x3] =	wrdreg s4  }
0xaa: {  	[dreg:$0x4] =	wrdreg $0xC0  }
0xab: {  	_ =	task [dreg:s6], $0x5FFFF  }
0xac: {  	[dreg:$0x1] =	wrdreg $0xFFFFFFFF  }
0xad: {  	[dreg:$0x0] =	wrdreg $0x60  }
0xae: {  	[dreg:$0x2] =	wrdreg s24  }
0xaf: {  	[dreg:$0x3] =	wrdreg $0x66800  }
0xb0: {  	[dreg:$0x4] =	wrdreg $0x9  }
0xb1: {  	_ =	task.clear_ibuf [dreg:s6], $0x5FFFF;
	_ =	strace $0x90000046  }
0xb2: {  	s29 =	simm.s32 $0x9;
	_ =	strace $0x80000048  }
0xb3: {  	_ =	swait.ge [sflag:s29], $0x1  }
0xb4: {  	[sflag:s29] =	ssyncadd.s32 $0xFFFFFFFF  }
0xb5: {  	_ =	strace $0x90000048  }
0xb6: {  	_ =	sfence  }
0xb7: {  	s30 =	sld [smem:$0x0];
	_ =	sdelay $0x2  }
0xb8: {  	s31 =	sshll.u32 s1, $0xD;
	s1 =	sshrl.u32 s1, $0x2  }
0xb9: {  	s3 =	sand.u32 $0x4000, s31;
	s1 =	sadd.s32 s1, s30  }
0xba: {  	s0 =	sor.u32 s3, s0;
	s1 =	sshll.u32 s1, $0x11  }
0xbb: {  	s0 =	sor.u32 s1, s0  }
0xbc: {  	s0 =	sadd.s32 $0x8F2B, s0  }
0xbd: {  	[sflag:s0] =	ssyncadd.remote.s32 $0x1  }
0xbe: {  	_ =	sfence.sel $0xFFFF  }
0xbf: {  	[dreg:$0x0] =	wrdreg $0xFFFFFFFF;
	(pc) =	sbr.abs _section_cstart, $3  }
0xc0: {  	[dreg:$0x1] =	wrdreg $0xFFFFFFFF  }
0xc1: {  	_ =	task.clear_ibuf [dreg:s6], $0x2FFFF;
	_ =	strace $0x9FFFFFFF  }
0xc2: {  	(tm) =	ssettm $0x7FFFFFFF  }
0xc3: {  	_ =	shalt  }
tec
execute0_lowered:
.L_overlay_start_1:
0x0: {  	(tag) =	ssettag $0x1  }
0x1: {  	s0 =	srdreg.scid;
	s4 =	rddreg [dreg:$0x0]  }
0x2: {  	s6 =	rddreg [dreg:$0x1];
	s1 =	stileid.u32  }
0x3: {  	s2 =	simm.s32 $0x0;
	s12 =	simm.s32 $0x80;
	s13 =	simm.s32 $0x400  }
0x4: {  	s14 =	simm.s32 $0x3;
	s15 =	simm.s32 $0x14000;
	s16 =	simm.s32 $0x3C00  }
0x5: {  	s17 =	simm.s32 $0x100;
	s18 =	simm.s32 $0x6400;
	s19 =	simm.s32 $0x0  }
0x6: {  	s5 =	sand.u32 $0x1, s0;
	s0 =	rddreg [dreg:$0x2];
	s7 =	smul.u32 $0x500, s1  }
0x7: {  	[smem:$0x7FF] =	sst s2;
	s29 =	sshrl.u32 s1, $0x3;
	s30 =	smul.u32 $0x5000, s1  }
0x8: {  	s31 =	sshll.u32 s1, $0x7;
	s3 =	sshll.u32 s5, $0x4;
	_ =	strace $0x80000047  }
0x9: {  	s9 =	sshll.u32 s5, $0x7;
	s5 =	ssub.s32 $0x2, s5;
	s3 =	sor.u32 s1, s3  }
0xa: {  	s7 =	sor.u32 s9, s7;
	s10 =	sshrl.u32 s5, $0x1;
	s9 =	smul.u32 $0x50000, s29  }
0xb: {  	s11 =	sshrl.u32 s30, $0x2;
	s3 =	smul.u32 $0x280, s3;
	s7 =	sshrl.u32 s7, $0x3  }
0xc: {  	s10 =	ssub.s32 s5, s10;
	s7 =	sadd.s32 s7, s4;
	s9 =	sshrl.u32 s9, $0x2  }
0xd: {  	s8 =	sadd.s32 s3, s4;
	s3 =	sadd.s32 $0xAA00, s4;
	s9 =	sadd.s32 s9, s6  }
0xe: {  	s6 =	sadd.s32 s11, s6;
	s4 =	sadd.s32 $0x5A00, s8;
	s8 =	sand.u32 $0x380, s31  }
0xf: {  	s7 =	sadd.s32 $0xB000, s7;
	s11 =	simm.s32 $0x2;
	s5 =	sadd.s32 s8, s9  }
0x10: {  	v0 =	vimm.f32 $1.000000000e+00;
	s8 =	smax.u32 s10, $0x1;
	s9 =	simm.s32 $0x1400;
	s10 =	simm.s32 $0x1  }
.LBB2_1:
0x11: {  	[tilespmem:s2], [sflag:$0x1] =	stream.linear.gather [hbm4b:s4+s2], $0x1400, $0x38;
	[tilespmem:$0x8E80] =	vst v63  }
0x12: {  	_ = 	snop  }
0x13: {  	[tilespmem:s9], [sflag:$0x2] =	stream.linear.gather [hbm4b:s3+s2], $0x2800, $0x38;
	[tilespmem:$0x8E80] =	vst v63  }
0x14: {  	_ =	swait.ge [sflag:s10], $0x1400  }
0x15: {  	[sflag:s10] =	ssyncset.done $0x0  }
0x16: {  	[sflag:s10] =	ssyncadd.s32 $0xFFFFEC00  }
0x17: {  	_ =	swait.ge [sflag:s11], $0x2800  }
0x18: {  	[sflag:s11] =	ssyncset.done $0x0  }
0x19: {  	s20 =	simm.s32 $0x0;
	[sflag:s11] =	ssyncadd.s32 $0xFFFFD800  }
.LBB2_2:
0x1a: {  	s21 =	sshra.s32 s20, $0x2  }
0x1b: {  	v1 =	vld [tilespmem:s21+$0x0];
	_ =	sdelay $0x7  }
0x1c: {  	[tilespmem:v1+s9+$0x0] =	vst.idx.add.f32.msk $0xffff, v0  }
0x1d: {  	v1 =	vld [tilespmem:s21+$0x10];
	_ =	sdelay $0x7  }
0x1e: {  	[tilespmem:v1+s9+$0x0] =	vst.idx.add.f32.msk $0xffff, v0  }
0x1f: {  	v1 =	vld [tilespmem:s21+$0x20];
	_ =	sdelay $0x7  }
0x20: {  	[tilespmem:v1+s9+$0x0] =	vst.idx.add.f32.msk $0xffff, v0  }
0x21: {  	v1 =	vld [tilespmem:s21+$0x30];
	_ =	sdelay $0x7  }
0x22: {  	[tilespmem:v1+s9+$0x0] =	vst.idx.add.f32.msk $0xffff, v0  }
0x23: {  	v1 =	vld [tilespmem:s21+$0x40];
	_ =	sdelay $0x7  }
0x24: {  	[tilespmem:v1+s9+$0x0] =	vst.idx.add.f32.msk $0xffff, v0  }
0x25: {  	v1 =	vld [tilespmem:s21+$0x50];
	_ =	sdelay $0x7  }
0x26: {  	[tilespmem:v1+s9+$0x0] =	vst.idx.add.f32.msk $0xffff, v0  }
0x27: {  	v1 =	vld [tilespmem:s21+$0x60];
	_ =	sdelay $0x7  }
0x28: {  	[tilespmem:v1+s9+$0x0] =	vst.idx.add.f32.msk $0xffff, v0  }
0x29: {  	v1 =	vld [tilespmem:s21+$0x70];
	_ =	sdelay $0x2  }
0x2a: {  	p0 =	sne.s32 s20, $0x4E00  }
.Ltmp0:
0x2b: {  	_ = 	snop;
	(pc) =	sbr.rel @p0 .LBB2_2-.Ltmp0, $2  }
0x2c: {  	_ =	sdelay $0x2  }
0x2d: {  	s20 =	sadd.s32 $0x200, s20;
	[tilespmem:v1+s9+$0x0] =	vst.idx.add.f32.msk $0xffff, v0  }
0x2e: {  	[spmem:s5] =	stream.strided.scatter [tilespmem:s9], [sflag:$0x3], $0x2800, s13, s12, $0x38;
	[tilespmem:$0x8E80] =	vst v63  }
0x2f: {  	_ =	swait.ge [sflag:s14], $0x2800  }
0x30: {  	[sflag:s14] =	ssyncset.done $0x0  }
0x31: {  	[sflag:s14] =	ssyncadd.s32 $0xFFFFD800  }
0x32: {  	[bflag:$0x0] =	sbarrier.arrive $0xFFFF  }
0x33: {  	[tilespmem:s16], [sflag:$0x3] =	stream.strided.gather [spmem:s6], $0x2800, s15, s9, $0x38;
	[tilespmem:$0x8E80] =	vst v63  }
0x34: {  	s20 =	simm.s32 $0x0;
	_ =	swait.ge [sflag:s14], $0x2800  }
0x35: {  	s21 =	sand.u32 $0x70, s20;
	s20 =	sand.u32 $0x1C00, s20;
	[sflag:s14] =	ssyncset.done $0x0  }
0x36: {  	s20 =	sor.u32 s21, s20;
	[sflag:s14] =	ssyncadd.s32 $0xFFFFD800  }
0x37: {  	v1 =	vld [tilespmem:s20+$0x3C80]  }
0x38: {  	v2 =	vld [tilespmem:s20+$0x3C00];
	_ =	sdelay $0x1  }
0x39: {  	v3 =	vld [tilespmem:s20+$0x3D00];
	_ =	sdelay $0x1  }
0x3a: {  	v4 =	vld [tilespmem:s20+$0x3D80]  }
0x3b: {  	v1 =	vadd.f32 v1, v2  }
0x3c: {  	v2 =	vld [tilespmem:s20+$0x3E00]  }
0x3d: {  	v1 =	vadd.f32 v3, v1  }
0x3e: {  	v3 =	vld [tilespmem:s20+$0x3E80]  }
0x3f: {  	v1 =	vadd.f32 v4, v1  }
0x40: {  	v60 =	vld [tilespmem:s20+$0x3F00]  }
0x41: {  	v1 =	vadd.f32 v2, v1  }
0x42: {  	v2 =	vld [tilespmem:s20+$0x3F80]  }
0x43: {  	v1 =	vadd.f32 v3, v1  }
0x44: {  	v3 =	vld [tilespmem:s20+$0x5000]  }
0x45: {  	v1 =	vadd.f32 v60, v1  }
0x46: {  	v61 =	vld [tilespmem:s20+$0x5080]  }
0x47: {  	v1 =	vadd.f32 v2, v1  }
0x48: {  	v2 =	vld [tilespmem:s20+$0x5100]  }
0x49: {  	v1 =	vadd.f32 v3, v1  }
0x4a: {  	v3 =	vld [tilespmem:s20+$0x5180]  }
0x4b: {  	v1 =	vadd.f32 v61, v1  }
0x4c: {  	v62 =	vld [tilespmem:s20+$0x5200]  }
0x4d: {  	v1 =	vadd.f32 v2, v1  }
0x4e: {  	v2 =	vld [tilespmem:s20+$0x5280]  }
0x4f: {  	v1 =	vadd.f32 v3, v1  }
0x50: {  	v3 =	vld [tilespmem:s20+$0x5300]  }
0x51: {  	v1 =	vadd.f32 v62, v1  }
0x52: {  	v63 =	vld [tilespmem:s20+$0x5380]  }
0x53: {  	v1 =	vadd.f32 v2, v1;
	_ =	sdelay $0x1  }
0x54: {  	v1 =	vadd.f32 v3, v1;
	_ =	sdelay $0x1  }
0x55: {  	s31 =	simm.s32 $0x10;
	s22 =	simm.s32 $0x80;
	v1 =	vadd.f32 v63, v1  }
0x56: {  	s23 =	sand.u32 $0x1C00, s22;
	s21 =	sand.u32 $0x70, s31;
	s20 =	simm.s32 $0x6400  }
0x57: {  	s21 =	sor.u32 s21, s23;
	s23 =	simm.s32 $0x20;
	[tilespmem:s20+$0x0] =	vst v1  }
.LBB2_4:
0x58: {  	p0 =	sne.s32 s23, $0x270;
	v1 =	vld [tilespmem:s21+$0x3C80]  }
0x59: {  	v2 =	vld [tilespmem:s21+$0x3C00];
	_ =	sdelay $0x1  }
0x5a: {  	v3 =	vld [tilespmem:s21+$0x3D00];
	_ =	sdelay $0x1  }
0x5b: {  	v4 =	vld [tilespmem:s21+$0x3D80]  }
0x5c: {  	v1 =	vadd.f32 v1, v2  }
0x5d: {  	v2 =	vld [tilespmem:s21+$0x3E00]  }
0x5e: {  	v1 =	vadd.f32 v3, v1  }
0x5f: {  	v3 =	vld [tilespmem:s21+$0x3E80]  }
0x60: {  	v1 =	vadd.f32 v4, v1  }
0x61: {  	v4 =	vld [tilespmem:s21+$0x3F00]  }
0x62: {  	v1 =	vadd.f32 v2, v1  }
0x63: {  	v2 =	vld [tilespmem:s21+$0x3F80]  }
0x64: {  	v1 =	vadd.f32 v3, v1  }
0x65: {  	v3 =	vld [tilespmem:s21+$0x5000]  }
0x66: {  	v1 =	vadd.f32 v4, v1  }
0x67: {  	v4 =	vld [tilespmem:s21+$0x5080]  }
0x68: {  	v1 =	vadd.f32 v2, v1  }
0x69: {  	v2 =	vld [tilespmem:s21+$0x5100]  }
0x6a: {  	v1 =	vadd.f32 v3, v1  }
0x6b: {  	v3 =	vld [tilespmem:s21+$0x5180]  }
0x6c: {  	v1 =	vadd.f32 v4, v1  }
0x6d: {  	v4 =	vld [tilespmem:s21+$0x5200]  }
0x6e: {  	v1 =	vadd.f32 v2, v1  }
0x6f: {  	v2 =	vld [tilespmem:s21+$0x5280]  }
0x70: {  	v1 =	vadd.f32 v3, v1  }
0x71: {  	v3 =	vld [tilespmem:s21+$0x5300]  }
0x72: {  	v1 =	vadd.f32 v4, v1  }
0x73: {  	v4 =	vld [tilespmem:s21+$0x5380]  }
0x74: {  	v1 =	vadd.f32 v2, v1;
	_ =	sdelay $0x1  }
.Ltmp1:
0x75: {  	v1 =	vadd.f32 v3, v1;
	(pc) =	sbr.rel @p0 .LBB2_4-.Ltmp1, $4  }
0x76: {  	_ = 	snop  }
0x77: {  	s22 =	sadd.s32 $0x80, s22;
	v1 =	vadd.f32 v4, v1  }
0x78: {  	s20 =	sadd.s32 $0x10, s20;
	s24 =	sand.u32 $0x1C00, s22;
	s21 =	sand.u32 $0x70, s23  }
0x79: {  	s23 =	sadd.s32 $0x10, s23;
	s21 =	sor.u32 s21, s24;
	[tilespmem:s20+$0x0] =	vst v1  }
0x7a: {  	v1 =	vld [tilespmem:s21+$0x3C80]  }
0x7b: {  	v2 =	vld [tilespmem:s21+$0x3C00];
	_ =	sdelay $0x1  }
0x7c: {  	v3 =	vld [tilespmem:s21+$0x3D00];
	_ =	sdelay $0x1  }
0x7d: {  	v4 =	vld [tilespmem:s21+$0x3D80]  }
0x7e: {  	v1 =	vadd.f32 v1, v2  }
0x7f: {  	v2 =	vld [tilespmem:s21+$0x3E00]  }
0x80: {  	v1 =	vadd.f32 v3, v1  }
0x81: {  	v3 =	vld [tilespmem:s21+$0x3E80]  }
0x82: {  	v1 =	vadd.f32 v4, v1  }
0x83: {  	v60 =	vld [tilespmem:s21+$0x3F00]  }
0x84: {  	v1 =	vadd.f32 v2, v1  }
0x85: {  	v2 =	vld [tilespmem:s21+$0x3F80]  }
0x86: {  	v1 =	vadd.f32 v3, v1  }
0x87: {  	v3 =	vld [tilespmem:s21+$0x5000]  }
0x88: {  	v1 =	vadd.f32 v60, v1  }
0x89: {  	v61 =	vld [tilespmem:s21+$0x5080]  }
0x8a: {  	v1 =	vadd.f32 v2, v1  }
0x8b: {  	v2 =	vld [tilespmem:s21+$0x5100]  }
0x8c: {  	v1 =	vadd.f32 v3, v1  }
0x8d: {  	v3 =	vld [tilespmem:s21+$0x5180]  }
0x8e: {  	v1 =	vadd.f32 v61, v1  }
0x8f: {  	v62 =	vld [tilespmem:s21+$0x5200]  }
0x90: {  	v1 =	vadd.f32 v2, v1  }
0x91: {  	v2 =	vld [tilespmem:s21+$0x5280]  }
0x92: {  	v1 =	vadd.f32 v3, v1  }
0x93: {  	v3 =	vld [tilespmem:s21+$0x5300]  }
0x94: {  	v1 =	vadd.f32 v62, v1  }
0x95: {  	v63 =	vld [tilespmem:s21+$0x5380]  }
0x96: {  	v1 =	vadd.f32 v2, v1;
	_ =	sdelay $0x1  }
0x97: {  	v1 =	vadd.f32 v3, v1;
	_ =	sdelay $0x1  }
0x98: {  	s19 =	sadd.s32 $0x1, s19;
	v1 =	vadd.f32 v63, v1  }
0x99: {  	s20 =	sadd.s32 $0x10, s20;
	p0 =	sne.s32 s19, s8  }
.Ltmp2:
0x9a: {  	[tilespmem:s20+$0x0] =	vst v1;
	(pc) =	sbr.rel @p0 .LBB2_1-.Ltmp2, $4  }
0x9b: {  	[hbm4b:s7+s12] =	stream.strided.scatter [tilespmem:s18], [sflag:$0x3], $0x280, s17, s12, $0x38;
	[tilespmem:$0x8E80] =	vst v63  }
0x9c: {  	_ =	swait.ge [sflag:s14], $0x280  }
0x9d: {  	[sflag:s14] =	ssyncset.done $0x0  }
0x9e: {  	[sflag:s14] =	ssyncadd.s32 $0xFFFFFD80  }
0x9f: {  	_ =	sfence.sel $0x180000  }
0xa0: {  	[bflag:$0x0] =	sbarrier.arrive $0xFFFF  }
0xa1: {  	p0 =	sne.s32 s1, $0x0;
	_ =	strace $0x90000047  }
0xa2: {  	s0 =	sadd.s32 @!p0 $0x100000, s0;
	[bflag:$0x2] =	sbarrier.arrive $0xFFFF  }
0xa3: {  	[sflag:s0] =	ssyncadd.tile.s32 @!p0 $0x1;
	_ =	shalt  }
.Lfunc_end2:
_tile_overlayer_lowered:
.L_overlay_start_2:
0xa4: {  	(tag) =	ssettag $0x2  }
0xa5: {  	s0 =	rddreg [dreg:$0x0];
	s2 =	stileid.u32  }
0xa6: {  	s1 =	rddreg [dreg:$0x1];
	p0 =	sne.s32 s2, $0x0  }
0xa7: {  	s3 =	rddreg [dreg:$0x2];
	[bflag:$0x3] =	sbarrier.arrive $0xFFFF;
	s2 =	simm.s32 @!p0 $0x1C03  }
0xa8: {  	[timem:s3], [sflag:s2] =	dma.local @!p0 [hbm:s0], s1  }
0xa9: {  	s0 =	simm.s32 @!p0 $0x3  }
0xaa: {  	_ =	swait.ge @!p0 [sflag:s0], s1  }
0xab: {  	s1 =	ssub.s32 @!p0 $0x0, s1;
	[sflag:s0] =	ssyncset.done @!p0 $0x0  }
0xac: {  	[sflag:s0] =	ssyncadd.s32 @!p0 s1  }
0xad: {  	[bflag:$0x3] =	sbarrier.arrive $0xFFFF  }
0xae: {  	_ =	shalt  }

</sc_bundles>
